<compile_context>
chip_gen: v7x
topology: tpu7x:2x2x1
jax: 0.10.2.dev20260603
libtpu: 0.0.44.dev20260713+nightly
codegen_flags: <defaults>
</compile_context>

<pallas_src>
import dataclasses
import functools

import jax
import jax.numpy as jnp
from jax import lax
from jax.experimental import pallas as pl
from jax.experimental.pallas import tpu as pltpu
from jax.experimental.pallas import tpu_sc as plsc

L = 16
SB = 40
BB = 256


def _lookup_sc(idx_t, table_rep, F):
    S, B = idx_t.shape
    mesh = plsc.VectorSubcoreMesh(core_axis_name="c", subcore_axis_name="s")

    cp = pltpu.CompilerParams()
    if "needs_layout_passes" in pltpu.CompilerParams.__dataclass_fields__:
        cp = dataclasses.replace(cp, needs_layout_passes=False)

    @functools.partial(
        pl.kernel,
        out_type=jax.ShapeDtypeStruct((F, S, B), jnp.float32),
        mesh=mesh,
        scratch_types=[pltpu.VMEM(table_rep.shape, jnp.float32)],
        compiler_params=cp,
    )
    def run(table_hbm, idx_hbm, out_hbm, table_v):
        pltpu.sync_copy(table_hbm, table_v)

        def body(idx_v, out_v):
            lane = lax.iota(jnp.int32, L)

            @plsc.parallel_loop(0, SB * BB, step=L, unroll=16)
            def _(g):
                s = g // BB
                b = g % BB
                iv = idx_v[s, pl.ds(b, L)]
                base = iv * (F * L) + lane
                for f in range(F):
                    vals = plsc.load_gather(table_v, [base + f * L])
                    out_v[f, s, pl.ds(b, L)] = vals

        pltpu.emit_pipeline(
            body,
            grid=(S // SB, B // BB),
            in_specs=[pl.BlockSpec((SB, BB), lambda i, j: (i, j))],
            out_specs=[pl.BlockSpec((F, SB, BB), lambda i, j: (0, i, j))],
            core_axis_name=("c", "s"),
            dimension_semantics=(pltpu.PARALLEL, pltpu.PARALLEL),
        )(idx_hbm, out_hbm)

    return run(table_rep, idx_t)


def kernel(inputs, seq_vectors):
    B, S = inputs.shape
    V, F = seq_vectors.shape
    idx_t = inputs.T
    table_rep = jnp.repeat(seq_vectors.reshape(-1), L)
    out_t = _lookup_sc(idx_t, table_rep, F)
    return out_t.transpose(2, 1, 0)

# --- scband reference (transcript-rebuilt; emitter-appended) ---
"""Pipeline reference for scband-atchley-factor-vectorizer-85959475462882 (READ-ONLY COPY).

The authoritative reference and input builder live on the scoring server;
editing this copy changes nothing except your own understanding.
"""

import jax, jax.numpy as jnp
import numpy as np


def setup_inputs(seed: int = 0) -> dict:
    key = jax.random.key(seed)
    inputs = jax.random.randint(key, (16384, 200), 0, 20, dtype=jnp.int32)
    # Atchley-factor table: 20 amino acids x 5 factors, same deterministic values as init_kwargs
    seq_vectors = (jnp.arange(100, dtype=jnp.float32) * 0.05 - 2.5).reshape(20, 5)
    return {"inputs": inputs, "seq_vectors": seq_vectors}


def reference(inputs, seq_vectors):
    # tf.nn.embedding_lookup(params, ids) == gather along axis 0
    embedded_inputs = jnp.take(seq_vectors, inputs, axis=0)
    return embedded_inputs

if __name__ == "__main__":
    import jax
    _d = setup_inputs()
    print(jax.jit(kernel)(*tuple(_d.values())))

</pallas_src>

<mosaic_0001>
#map = affine_map<(d0, d1) -> (0)>
#map1 = affine_map<(d0, d1) -> (0, 0)>
#map2 = affine_map<(d0, d1) -> (0, 0, 0)>
module attributes {stable_mosaic.version = 14 : i64} {
  func.func @run(%arg0: i32, %arg1: i32, %arg2: memref<1600xf32, #tpu.memory_space<hbm>>, %arg3: memref<200x16384xi32, #tpu.memory_space<hbm>>, %arg4: memref<5x200x16384xf32, #tpu.memory_space<hbm>>, %arg5: memref<1600xf32, #tpu.memory_space<vmem>>) attributes {dimension_semantics = [#tpu.dimension_semantics<core_parallel>, #tpu.dimension_semantics<subcore_parallel>], iteration_bounds = array<i64: 2, 16>, scalar_prefetch = 0 : i64, scratch_operands = 1 : i64, tpu.core_type = #tpu.core_type<sc_vector_subcore>, window_params = [{transform_indices = #map}, {transform_indices = #map1}, {transform_indices = #map2}]} {
    "tpu.region"() ({
      %run_scoped3A = tpu.sem_alloc : memref<!tpu.dma_semaphore, #tpu.memory_space<semaphore_mem>>
      tpu.enqueue_dma source(%arg2 : memref<1600xf32, #tpu.memory_space<hbm>>) target(%arg5 : memref<1600xf32, #tpu.memory_space<vmem>>) target_semaphore(%run_scoped3A : memref<!tpu.dma_semaphore, #tpu.memory_space<semaphore_mem>>)
      tpu.wait_dma2 semaphore(%run_scoped3A : memref<!tpu.dma_semaphore, #tpu.memory_space<semaphore_mem>>) src(%arg2 : memref<1600xf32, #tpu.memory_space<hbm>>) dst(%arg5 : memref<1600xf32, #tpu.memory_space<vmem>>)
      tpu.yield
    }) : () -> ()
    %mul3A = arith.constant 1 : i32
    %mul3A_0 = arith.muli %arg1, %mul3A : i32
    %add3A = arith.constant 0 : i32
    %add3A_1 = arith.addi %add3A, %mul3A_0 : i32
    %mul3A_2 = arith.constant 16 : i32
    %mul3A_3 = arith.muli %arg0, %mul3A_2 : i32
    %add3A_4 = arith.addi %add3A_1, %mul3A_3 : i32
    %mul3A_5 = arith.constant 2 : i32
    %mul3A_6 = arith.muli %add3A_4, %mul3A_5 : i32
    "tpu.region"() ({
      %run_scoped3A = memref.alloca() : memref<2x40x256xi32, #tpu.memory_space<vmem>>
      %run_scoped3A_7 = tpu.sem_alloc : memref<2x!tpu.dma_semaphore, #tpu.memory_space<semaphore_mem>>
      %run_scoped3A_8 = memref.alloca() : memref<2x5x40x256xf32, #tpu.memory_space<vmem>>
      %run_scoped3A_9 = tpu.sem_alloc : memref<2x!tpu.dma_semaphore, #tpu.memory_space<semaphore_mem>>
      %add3A_10 = arith.constant 0 : i32
      %add3A_11 = arith.addi %add3A_10, %mul3A_6 : i32
      %select_n3A = arith.constant true
      %select_n3A_12 = arith.constant 0 : i32
      %select_n3A_13 = arith.constant -1 : i32
      %select_n3A_14 = arith.select %select_n3A, %select_n3A_13, %select_n3A_12 : i32
      %eq3A = arith.constant -1 : i32
      %eq3A_15 = arith.cmpi eq, %select_n3A_14, %eq3A : i32
      %select_n3A_16 = arith.constant 1 : i32
      %select_n3A_17 = arith.select %eq3A_15, %select_n3A_16, %select_n3A_14 : i32
      %select_n3A_18 = arith.constant 0 : i32
      %select_n3A_19 = arith.constant -1 : i32
      %select_n3A_20 = arith.select %eq3A_15, %select_n3A_19, %select_n3A_18 : i32
      %eq3A_21 = arith.constant -1 : i32
      %eq3A_22 = arith.cmpi eq, %select_n3A_20, %eq3A_21 : i32
      %select_n3A_23 = arith.constant 4 : i32
      %select_n3A_24 = arith.select %eq3A_22, %select_n3A_23, %select_n3A_20 : i32
      %add3A_25 = arith.constant 0 : i32
      %add3A_26 = arith.addi %select_n3A_24, %add3A_25 : i32
      %add3A_27 = arith.addi %select_n3A_17, %mul3A_6 : i32
      %select_n3A_28 = arith.constant true
      %select_n3A_29 = arith.constant 0 : i32
      %select_n3A_30 = arith.constant 1 : i32
      %select_n3A_31 = arith.select %select_n3A_28, %select_n3A_30, %select_n3A_29 : i32
      %eq3A_32 = arith.constant 2 : i32
      %eq3A_33 = arith.cmpi eq, %select_n3A_31, %eq3A_32 : i32
      %select_n3A_34 = arith.constant 0 : i32
      %select_n3A_35 = arith.select %eq3A_33, %select_n3A_34, %select_n3A_31 : i32
      %select_n3A_36 = arith.constant 0 : i32
      %select_n3A_37 = arith.constant 1 : i32
      %select_n3A_38 = arith.select %eq3A_33, %select_n3A_37, %select_n3A_36 : i32
      %eq3A_39 = arith.constant 5 : i32
      %eq3A_40 = arith.cmpi eq, %select_n3A_38, %eq3A_39 : i32
      %select_n3A_41 = arith.constant 0 : i32
      %select_n3A_42 = arith.select %eq3A_40, %select_n3A_41, %select_n3A_38 : i32
      %add3A_43 = arith.constant 0 : i32
      %add3A_44 = arith.addi %select_n3A_42, %add3A_43 : i32
      %add3A_45 = arith.addi %select_n3A_35, %mul3A_6 : i32
      %add3A_46 = arith.constant 1 : i32
      %add3A_47 = arith.addi %select_n3A_35, %add3A_46 : i32
      %select_n3A_48 = arith.constant true
      %select_n3A_49 = arith.select %select_n3A_48, %add3A_47, %select_n3A_35 : i32
      %eq3A_50 = arith.constant 2 : i32
      %eq3A_51 = arith.cmpi eq, %select_n3A_49, %eq3A_50 : i32
      %select_n3A_52 = arith.constant 0 : i32
      %select_n3A_53 = arith.select %eq3A_51, %select_n3A_52, %select_n3A_49 : i32
      %add3A_54 = arith.constant 1 : i32
      %add3A_55 = arith.addi %select_n3A_42, %add3A_54 : i32
      %select_n3A_56 = arith.select %eq3A_51, %add3A_55, %select_n3A_42 : i32
      %eq3A_57 = arith.constant 5 : i32
      %eq3A_58 = arith.cmpi eq, %select_n3A_56, %eq3A_57 : i32
      %select_n3A_59 = arith.constant 0 : i32
      %select_n3A_60 = arith.select %eq3A_58, %select_n3A_59, %select_n3A_56 : i32
      %add3A_61 = arith.constant 0 : i32
      %add3A_62 = arith.addi %select_n3A_60, %add3A_61 : i32
      %add3A_63 = arith.addi %select_n3A_53, %mul3A_6 : i32
      "tpu.trace_start"() <{level = 10 : i32, message = "ep_initialize_0"}> : () -> ()
      %rem3A = arith.constant 0 : i32
      %rem3A_64 = arith.constant 2 : i32
      %rem3A_65 = arith.remui %rem3A, %rem3A_64 : i32
      %mul3A_66 = arith.constant 256 : i32
      %mul3A_67 = arith.muli %mul3A_66, %add3A_11 : i32
      %dma_start3A = arith.constant 0 : i32
      %dma_start3A_68 = arith.constant 0 : i32
      %dma_start3A_69 = tpu.memref_slice %run_scoped3A[%rem3A_65, %dma_start3A, %dma_start3A_68] : memref<2x40x256xi32, #tpu.memory_space<vmem>> -> memref<1x40x256xi32, #tpu.memory_space<vmem>>
      %dma_start3A_70 = tpu.memref_squeeze %dma_start3A_69 : memref<1x40x256xi32, #tpu.memory_space<vmem>> -> memref<40x256xi32, #tpu.memory_space<vmem>>
      %dma_start3A_71 = arith.constant 0 : i32
      %dma_start3A_72 = tpu.memref_slice %arg3[%dma_start3A_71, %mul3A_67] : memref<200x16384xi32, #tpu.memory_space<hbm>> -> memref<40x256xi32, #tpu.memory_space<hbm>>
      %dma_start3A_73 = tpu.memref_slice %run_scoped3A_7[%rem3A_65] : memref<2x!tpu.dma_semaphore, #tpu.memory_space<semaphore_mem>> -> memref<1x!tpu.dma_semaphore, #tpu.memory_space<semaphore_mem>>
      %dma_start3A_74 = tpu.memref_squeeze %dma_start3A_73 : memref<1x!tpu.dma_semaphore, #tpu.memory_space<semaphore_mem>> -> memref<!tpu.dma_semaphore, #tpu.memory_space<semaphore_mem>>
      %dma_start3A_75 = arith.constant 0 : i32
      %dma_start3A_76 = arith.constant 0 : i32
      %dma_start3A_77 = tpu.memref_slice %run_scoped3A[%rem3A_65, %dma_start3A_75, %dma_start3A_76] : memref<2x40x256xi32, #tpu.memory_space<vmem>> -> memref<1x40x256xi32, #tpu.memory_space<vmem>>
      %dma_start3A_78 = tpu.memref_squeeze %dma_start3A_77 : memref<1x40x256xi32, #tpu.memory_space<vmem>> -> memref<40x256xi32, #tpu.memory_space<vmem>>
      %dma_start3A_79 = arith.constant 0 : i32
      %dma_start3A_80 = tpu.memref_slice %arg3[%dma_start3A_79, %mul3A_67] : memref<200x16384xi32, #tpu.memory_space<hbm>> -> memref<40x256xi32, #tpu.memory_space<hbm>>
      tpu.enqueue_dma source(%dma_start3A_80 : memref<40x256xi32, #tpu.memory_space<hbm>>) target(%dma_start3A_78 : memref<40x256xi32, #tpu.memory_space<vmem>>) target_semaphore(%dma_start3A_74 : memref<!tpu.dma_semaphore, #tpu.memory_space<semaphore_mem>>)
      %add3A_81 = arith.constant 0 : i32
      %add3A_82 = arith.constant 1 : i32
      %add3A_83 = arith.addi %add3A_81, %add3A_82 : i32
      %select_n3A_84 = arith.constant true
      %select_n3A_85 = arith.constant 0 : i32
      %select_n3A_86 = arith.select %select_n3A_84, %add3A_83, %select_n3A_85 : i32
      "tpu.trace_stop"() : () -> ()
      %scan3A = arith.constant 0 : i32
      %scan3A_87 = arith.constant 0 : i32
      %scan3A_88 = arith.constant 0 : i32
      %scan3A_89 = arith.constant 0 : i32
      %scan3A_90 = arith.constant 0 : i32
      %scan3A_91 = arith.constant 0 : i32
      %scan3A_92 = arith.constant 10 : i32
      %scan3A_93 = arith.addi %scan3A_91, %scan3A_92 : i32
      %scan3A_94 = arith.constant 1 : i32
      %scan3A_95:6 = scf.for %scan3A_189 = %scan3A_91 to %scan3A_93 step %scan3A_94 iter_args(%scan3A_190 = %select_n3A_86, %scan3A_191 = %scan3A, %scan3A_192 = %scan3A_87, %scan3A_193 = %scan3A_88, %scan3A_194 = %scan3A_89, %scan3A_195 = %scan3A_90) -> (i32, i32, i32, i32, i32, i32)  : i32 {
        %eq3A_196 = arith.constant 0 : i32
        %eq3A_197 = arith.cmpi eq, %scan3A_189, %eq3A_196 : i32
        %eq3A_198 = arith.constant 9 : i32
        %eq3A_199 = arith.cmpi eq, %scan3A_189, %eq3A_198 : i32
        %add3A_200 = arith.constant 0 : i32
        %add3A_201 = arith.addi %scan3A_194, %add3A_200 : i32
        %add3A_202 = arith.addi %scan3A_195, %mul3A_6 : i32
        %sub3A_203 = arith.constant 1 : i32
        %sub3A_204 = arith.subi %scan3A_195, %sub3A_203 : i32
        %select_n3A_205 = arith.constant true
        %select_n3A_206 = arith.select %select_n3A_205, %sub3A_204, %scan3A_195 : i32
        %eq3A_207 = arith.constant -1 : i32
        %eq3A_208 = arith.cmpi eq, %select_n3A_206, %eq3A_207 : i32
        %select_n3A_209 = arith.constant 1 : i32
        %select_n3A_210 = arith.select %eq3A_208, %select_n3A_209, %select_n3A_206 : i32
        %sub3A_211 = arith.constant 1 : i32
        %sub3A_212 = arith.subi %scan3A_194, %sub3A_211 : i32
        %select_n3A_213 = arith.select %eq3A_208, %sub3A_212, %scan3A_194 : i32
        %eq3A_214 = arith.constant -1 : i32
        %eq3A_215 = arith.cmpi eq, %select_n3A_213, %eq3A_214 : i32
        %select_n3A_216 = arith.constant 4 : i32
        %select_n3A_217 = arith.select %eq3A_215, %select_n3A_216, %select_n3A_213 : i32
        %add3A_218 = arith.constant 0 : i32
        %add3A_219 = arith.addi %select_n3A_217, %add3A_218 : i32
        %add3A_220 = arith.addi %select_n3A_210, %mul3A_6 : i32
        %add3A_221 = arith.constant 1 : i32
        %add3A_222 = arith.addi %scan3A_195, %add3A_221 : i32
        %select_n3A_223 = arith.constant true
        %select_n3A_224 = arith.select %select_n3A_223, %add3A_222, %scan3A_195 : i32
        %eq3A_225 = arith.constant 2 : i32
        %eq3A_226 = arith.cmpi eq, %select_n3A_224, %eq3A_225 : i32
        %select_n3A_227 = arith.constant 0 : i32
        %select_n3A_228 = arith.select %eq3A_226, %select_n3A_227, %select_n3A_224 : i32
        %add3A_229 = arith.constant 1 : i32
        %add3A_230 = arith.addi %scan3A_194, %add3A_229 : i32
        %select_n3A_231 = arith.select %eq3A_226, %add3A_230, %scan3A_194 : i32
        %eq3A_232 = arith.constant 5 : i32
        %eq3A_233 = arith.cmpi eq, %select_n3A_231, %eq3A_232 : i32
        %select_n3A_234 = arith.constant 0 : i32
        %select_n3A_235 = arith.select %eq3A_233, %select_n3A_234, %select_n3A_231 : i32
        %add3A_236 = arith.constant 0 : i32
        %add3A_237 = arith.addi %select_n3A_235, %add3A_236 : i32
        %add3A_238 = arith.addi %select_n3A_228, %mul3A_6 : i32
        %add3A_239 = arith.constant 1 : i32
        %add3A_240 = arith.addi %select_n3A_228, %add3A_239 : i32
        %select_n3A_241 = arith.constant true
        %select_n3A_242 = arith.select %select_n3A_241, %add3A_240, %select_n3A_228 : i32
        %eq3A_243 = arith.constant 2 : i32
        %eq3A_244 = arith.cmpi eq, %select_n3A_242, %eq3A_243 : i32
        %select_n3A_245 = arith.constant 0 : i32
        %select_n3A_246 = arith.select %eq3A_244, %select_n3A_245, %select_n3A_242 : i32
        %add3A_247 = arith.constant 1 : i32
        %add3A_248 = arith.addi %select_n3A_235, %add3A_247 : i32
        %select_n3A_249 = arith.select %eq3A_244, %add3A_248, %select_n3A_235 : i32
        %eq3A_250 = arith.constant 5 : i32
        %eq3A_251 = arith.cmpi eq, %select_n3A_249, %eq3A_250 : i32
        %select_n3A_252 = arith.constant 0 : i32
        %select_n3A_253 = arith.select %eq3A_251, %select_n3A_252, %select_n3A_249 : i32
        %add3A_254 = arith.constant 0 : i32
        %add3A_255 = arith.addi %select_n3A_253, %add3A_254 : i32
        %add3A_256 = arith.addi %select_n3A_246, %mul3A_6 : i32
        %ne3A = arith.cmpi ne, %add3A_201, %add3A_237 : i32
        %ne3A_257 = arith.cmpi ne, %add3A_202, %add3A_238 : i32
        %or3A = arith.constant false
        %or3A_258 = arith.ori %or3A, %ne3A : i1
        %or3A_259 = arith.ori %or3A_258, %ne3A_257 : i1
        %ge3A = arith.constant 9 : i32
        %ge3A_260 = arith.cmpi sge, %scan3A_189, %ge3A : i32
        %not3A = arith.constant true
        %not3A_261 = arith.xori %ge3A_260, %not3A : i1
        %and3A = arith.andi %or3A_259, %not3A_261 : i1
        %convert_element_type3A = arith.extui %and3A : i1 to i32
        %cond3A = arith.constant 0 : i32
        %cond3A_262 = arith.cmpi ne, %convert_element_type3A, %cond3A : i32
        scf.if %cond3A_262 {
          "tpu.trace_start"() <{level = 10 : i32, message = "ep_copy_in"}> : () -> ()
          %rem3A_380 = arith.constant 2 : i32
          %rem3A_381 = arith.remui %scan3A_190, %rem3A_380 : i32
          %mul3A_382 = arith.constant 40 : i32
          %mul3A_383 = arith.muli %mul3A_382, %add3A_237 : i32
          %mul3A_384 = arith.constant 256 : i32
          %mul3A_385 = arith.muli %mul3A_384, %add3A_238 : i32
          %dma_start3A_386 = arith.constant 0 : i32
          %dma_start3A_387 = arith.constant 0 : i32
          %dma_start3A_388 = tpu.memref_slice %run_scoped3A[%rem3A_381, %dma_start3A_386, %dma_start3A_387] : memref<2x40x256xi32, #tpu.memory_space<vmem>> -> memref<1x40x256xi32, #tpu.memory_space<vmem>>
          %dma_start3A_389 = tpu.memref_squeeze %dma_start3A_388 : memref<1x40x256xi32, #tpu.memory_space<vmem>> -> memref<40x256xi32, #tpu.memory_space<vmem>>
          %dma_start3A_390 = tpu.memref_slice %arg3[%mul3A_383, %mul3A_385] : memref<200x16384xi32, #tpu.memory_space<hbm>> -> memref<40x256xi32, #tpu.memory_space<hbm>>
          %dma_start3A_391 = tpu.memref_slice %run_scoped3A_7[%rem3A_381] : memref<2x!tpu.dma_semaphore, #tpu.memory_space<semaphore_mem>> -> memref<1x!tpu.dma_semaphore, #tpu.memory_space<semaphore_mem>>
          %dma_start3A_392 = tpu.memref_squeeze %dma_start3A_391 : memref<1x!tpu.dma_semaphore, #tpu.memory_space<semaphore_mem>> -> memref<!tpu.dma_semaphore, #tpu.memory_space<semaphore_mem>>
          %dma_start3A_393 = arith.constant 0 : i32
          %dma_start3A_394 = arith.constant 0 : i32
          %dma_start3A_395 = tpu.memref_slice %run_scoped3A[%rem3A_381, %dma_start3A_393, %dma_start3A_394] : memref<2x40x256xi32, #tpu.memory_space<vmem>> -> memref<1x40x256xi32, #tpu.memory_space<vmem>>
          %dma_start3A_396 = tpu.memref_squeeze %dma_start3A_395 : memref<1x40x256xi32, #tpu.memory_space<vmem>> -> memref<40x256xi32, #tpu.memory_space<vmem>>
          %dma_start3A_397 = tpu.memref_slice %arg3[%mul3A_383, %mul3A_385] : memref<200x16384xi32, #tpu.memory_space<hbm>> -> memref<40x256xi32, #tpu.memory_space<hbm>>
          tpu.enqueue_dma source(%dma_start3A_397 : memref<40x256xi32, #tpu.memory_space<hbm>>) target(%dma_start3A_396 : memref<40x256xi32, #tpu.memory_space<vmem>>) target_semaphore(%dma_start3A_392 : memref<!tpu.dma_semaphore, #tpu.memory_space<semaphore_mem>>)
          "tpu.trace_stop"() : () -> ()
        } else {
        }
        %and3A_263 = arith.constant true
        %and3A_264 = arith.andi %and3A, %and3A_263 : i1
        %add3A_265 = arith.constant 1 : i32
        %add3A_266 = arith.addi %scan3A_190, %add3A_265 : i32
        %select_n3A_267 = arith.select %and3A_264, %add3A_266, %scan3A_190 : i32
        %ne3A_268 = arith.cmpi ne, %add3A_201, %add3A_237 : i32
        %ne3A_269 = arith.cmpi ne, %add3A_202, %add3A_238 : i32
        %or3A_270 = arith.constant false
        %or3A_271 = arith.ori %or3A_270, %ne3A_268 : i1
        %or3A_272 = arith.ori %or3A_271, %ne3A_269 : i1
        %ge3A_273 = arith.constant 9 : i32
        %ge3A_274 = arith.cmpi sge, %scan3A_189, %ge3A_273 : i32
        %not3A_275 = arith.constant true
        %not3A_276 = arith.xori %ge3A_274, %not3A_275 : i1
        %and3A_277 = arith.andi %or3A_272, %not3A_276 : i1
        %ne3A_278 = arith.cmpi ne, %add3A_201, %add3A_219 : i32
        %ne3A_279 = arith.cmpi ne, %add3A_202, %add3A_220 : i32
        %or3A_280 = arith.constant false
        %or3A_281 = arith.ori %or3A_280, %ne3A_278 : i1
        %or3A_282 = arith.ori %or3A_281, %ne3A_279 : i1
        %or3A_283 = arith.ori %or3A_282, %eq3A_197 : i1
        %convert_element_type3A_284 = arith.extui %or3A_283 : i1 to i32
        %cond3A_285 = arith.constant 0 : i32
        %cond3A_286 = arith.cmpi ne, %convert_element_type3A_284, %cond3A_285 : i32
        scf.if %cond3A_286 {
          "tpu.trace_start"() <{level = 10 : i32, message = "ep_wait_in"}> : () -> ()
          %mul3A_380 = arith.constant 40 : i32
          %mul3A_381 = arith.muli %mul3A_380, %add3A_201 : i32
          %mul3A_382 = arith.constant 256 : i32
          %mul3A_383 = arith.muli %mul3A_382, %add3A_202 : i32
          %rem3A_384 = arith.constant 2 : i32
          %rem3A_385 = arith.remui %scan3A_191, %rem3A_384 : i32
          %dma_wait3A_386 = arith.constant 0 : i32
          %dma_wait3A_387 = arith.constant 0 : i32
          %dma_wait3A_388 = tpu.memref_slice %run_scoped3A[%rem3A_385, %dma_wait3A_386, %dma_wait3A_387] : memref<2x40x256xi32, #tpu.memory_space<vmem>> -> memref<1x40x256xi32, #tpu.memory_space<vmem>>
          %dma_wait3A_389 = tpu.memref_squeeze %dma_wait3A_388 : memref<1x40x256xi32, #tpu.memory_space<vmem>> -> memref<40x256xi32, #tpu.memory_space<vmem>>
          %dma_wait3A_390 = tpu.memref_slice %arg3[%mul3A_381, %mul3A_383] : memref<200x16384xi32, #tpu.memory_space<hbm>> -> memref<40x256xi32, #tpu.memory_space<hbm>>
          %dma_wait3A_391 = tpu.memref_slice %run_scoped3A_7[%rem3A_385] : memref<2x!tpu.dma_semaphore, #tpu.memory_space<semaphore_mem>> -> memref<1x!tpu.dma_semaphore, #tpu.memory_space<semaphore_mem>>
          %dma_wait3A_392 = tpu.memref_squeeze %dma_wait3A_391 : memref<1x!tpu.dma_semaphore, #tpu.memory_space<semaphore_mem>> -> memref<!tpu.dma_semaphore, #tpu.memory_space<semaphore_mem>>
          %dma_wait3A_393 = arith.constant 0 : i32
          %dma_wait3A_394 = arith.constant 0 : i32
          %dma_wait3A_395 = tpu.memref_slice %run_scoped3A[%rem3A_385, %dma_wait3A_393, %dma_wait3A_394] : memref<2x40x256xi32, #tpu.memory_space<vmem>> -> memref<1x40x256xi32, #tpu.memory_space<vmem>>
          %dma_wait3A_396 = tpu.memref_squeeze %dma_wait3A_395 : memref<1x40x256xi32, #tpu.memory_space<vmem>> -> memref<40x256xi32, #tpu.memory_space<vmem>>
          %dma_wait3A_397 = tpu.memref_slice %arg3[%mul3A_381, %mul3A_383] : memref<200x16384xi32, #tpu.memory_space<hbm>> -> memref<40x256xi32, #tpu.memory_space<hbm>>
          tpu.wait_dma2 semaphore(%dma_wait3A_392 : memref<!tpu.dma_semaphore, #tpu.memory_space<semaphore_mem>>) src(%dma_wait3A_397 : memref<40x256xi32, #tpu.memory_space<hbm>>) dst(%dma_wait3A_396 : memref<40x256xi32, #tpu.memory_space<vmem>>)
          "tpu.trace_stop"() : () -> ()
        } else {
        }
        %ne3A_287 = arith.cmpi ne, %add3A_201, %add3A_219 : i32
        %ne3A_288 = arith.cmpi ne, %add3A_202, %add3A_220 : i32
        %or3A_289 = arith.constant false
        %or3A_290 = arith.ori %or3A_289, %ne3A_287 : i1
        %or3A_291 = arith.ori %or3A_290, %ne3A_288 : i1
        %or3A_292 = arith.ori %or3A_291, %eq3A_197 : i1
        %convert_element_type3A_293 = arith.extui %or3A_292 : i1 to i32
        %cond3A_294 = arith.constant 0 : i32
        %cond3A_295 = arith.cmpi ne, %convert_element_type3A_293, %cond3A_294 : i32
        scf.if %cond3A_295 {
        } else {
        }
        %rem3A_296 = arith.constant 2 : i32
        %rem3A_297 = arith.remui %scan3A_191, %rem3A_296 : i32
        %rem3A_298 = arith.constant 2 : i32
        %rem3A_299 = arith.remui %scan3A_192, %rem3A_298 : i32
        "tpu.trace_start"() <{level = 10 : i32, message = "ep_run_kernel"}> : () -> ()
        %iota3A = tpu.iota {dimensions = array<i32: 0>} : vector<16xi32>
        %parallel_loop3A = arith.constant 0 : i32
        %parallel_loop3A_300 = arith.constant 10240 : i32
        %parallel_loop3A_301 = arith.constant 16 : i32
        scf.for %parallel_loop3A_380 = %parallel_loop3A to %parallel_loop3A_300 step %parallel_loop3A_301  : i32 {
          %parallel_loop3A_381 = arith.constant 256 : i32
          %parallel_loop3A_382 = arith.divsi %parallel_loop3A_380, %parallel_loop3A_381 : i32
          %parallel_loop3A_383 = arith.constant 0 : i32
          %parallel_loop3A_384 = arith.cmpi sgt, %parallel_loop3A_380, %parallel_loop3A_383 : i32
          %parallel_loop3A_385 = arith.extui %parallel_loop3A_384 : i1 to i32
          %parallel_loop3A_386 = arith.constant 0 : i32
          %parallel_loop3A_387 = arith.cmpi slt, %parallel_loop3A_380, %parallel_loop3A_386 : i32
          %parallel_loop3A_388 = arith.extui %parallel_loop3A_387 : i1 to i32
          %parallel_loop3A_389 = arith.subi %parallel_loop3A_385, %parallel_loop3A_388 : i32
          %parallel_loop3A_390 = arith.constant 0 : i32
          %parallel_loop3A_391 = arith.cmpi sgt, %parallel_loop3A_381, %parallel_loop3A_390 : i32
          %parallel_loop3A_392 = arith.extui %parallel_loop3A_391 : i1 to i32
          %parallel_loop3A_393 = arith.constant 0 : i32
          %parallel_loop3A_394 = arith.cmpi slt, %parallel_loop3A_381, %parallel_loop3A_393 : i32
          %parallel_loop3A_395 = arith.extui %parallel_loop3A_394 : i1 to i32
          %parallel_loop3A_396 = arith.subi %parallel_loop3A_392, %parallel_loop3A_395 : i32
          %parallel_loop3A_397 = arith.cmpi ne, %parallel_loop3A_389, %parallel_loop3A_396 : i32
          %parallel_loop3A_398 = arith.remsi %parallel_loop3A_380, %parallel_loop3A_381 : i32
          %parallel_loop3A_399 = arith.constant 0 : i32
          %parallel_loop3A_400 = arith.cmpi ne, %parallel_loop3A_398, %parallel_loop3A_399 : i32
          %parallel_loop3A_401 = arith.andi %parallel_loop3A_397, %parallel_loop3A_400 : i1
          %parallel_loop3A_402 = arith.constant 1 : i32
          %parallel_loop3A_403 = arith.subi %parallel_loop3A_382, %parallel_loop3A_402 : i32
          %parallel_loop3A_404 = arith.select %parallel_loop3A_401, %parallel_loop3A_403, %parallel_loop3A_382 : i32
          %parallel_loop3A_405 = arith.constant 256 : i32
          %parallel_loop3A_406 = arith.constant 0 : i32
          %parallel_loop3A_407 = arith.cmpi eq, %parallel_loop3A_405, %parallel_loop3A_406 : i32
          %parallel_loop3A_408 = arith.constant 1 : i32
          %parallel_loop3A_409 = arith.select %parallel_loop3A_407, %parallel_loop3A_408, %parallel_loop3A_405 : i32
          %parallel_loop3A_410 = arith.remsi %parallel_loop3A_380, %parallel_loop3A_409 : i32
          %parallel_loop3A_411 = arith.constant 0 : i32
          %parallel_loop3A_412 = arith.cmpi ne, %parallel_loop3A_410, %parallel_loop3A_411 : i32
          %parallel_loop3A_413 = arith.constant 0 : i32
          %parallel_loop3A_414 = arith.cmpi slt, %parallel_loop3A_410, %parallel_loop3A_413 : i32
          %parallel_loop3A_415 = arith.constant 0 : i32
          %parallel_loop3A_416 = arith.cmpi slt, %parallel_loop3A_409, %parallel_loop3A_415 : i32
          %parallel_loop3A_417 = arith.xori %parallel_loop3A_414, %parallel_loop3A_416 : i1
          %parallel_loop3A_418 = arith.andi %parallel_loop3A_417, %parallel_loop3A_412 : i1
          %parallel_loop3A_419 = arith.addi %parallel_loop3A_410, %parallel_loop3A_409 : i32
          %parallel_loop3A_420 = arith.select %parallel_loop3A_418, %parallel_loop3A_419, %parallel_loop3A_410 : i32
          %parallel_loop3A_421 = arith.constant 0 : i32
          %parallel_loop3A_422 = arith.constant 0 : i32
          %parallel_loop3A_423 = tpu.memref_slice %run_scoped3A[%rem3A_297, %parallel_loop3A_421, %parallel_loop3A_422] : memref<2x40x256xi32, #tpu.memory_space<vmem>> -> memref<1x40x256xi32, #tpu.memory_space<vmem>>
          %parallel_loop3A_424 = tpu.memref_squeeze %parallel_loop3A_423 : memref<1x40x256xi32, #tpu.memory_space<vmem>> -> memref<40x256xi32, #tpu.memory_space<vmem>>
          %parallel_loop3A_425 = arith.index_cast %parallel_loop3A_404 : i32 to index
          %parallel_loop3A_426 = arith.index_cast %parallel_loop3A_420 : i32 to index
          %parallel_loop3A_427 = tpu.vector_load %parallel_loop3A_424[%parallel_loop3A_425, %parallel_loop3A_426] {strides = array<i32>} : memref<40x256xi32, #tpu.memory_space<vmem>>, vector<16xi32>,
          %parallel_loop3A_428 = arith.constant 80 : i32
          %parallel_loop3A_429 = vector.broadcast %parallel_loop3A_428 : i32 to vector<16xi32>
          %parallel_loop3A_430 = arith.muli %parallel_loop3A_427, %parallel_loop3A_429 : vector<16xi32>
          %parallel_loop3A_431 = arith.addi %parallel_loop3A_430, %iota3A : vector<16xi32>
          %parallel_loop3A_432 = arith.constant 0 : i32
          %parallel_loop3A_433 = vector.broadcast %parallel_loop3A_432 : i32 to vector<16xi32>
          %parallel_loop3A_434 = arith.addi %parallel_loop3A_431, %parallel_loop3A_433 : vector<16xi32>
          %parallel_loop3A_435 = tpu.vector_load_idx %arg5[%parallel_loop3A_434] : memref<1600xf32, #tpu.memory_space<vmem>>[vector<16xi32>], vector<16xf32>,
          %parallel_loop3A_436 = arith.constant 0 : i32
          %parallel_loop3A_437 = arith.constant 0 : i32
          %parallel_loop3A_438 = arith.constant 0 : i32
          %parallel_loop3A_439 = arith.constant 0 : i32
          %parallel_loop3A_440 = tpu.memref_slice %run_scoped3A_8[%rem3A_299, %parallel_loop3A_437, %parallel_loop3A_438, %parallel_loop3A_439] : memref<2x5x40x256xf32, #tpu.memory_space<vmem>> -> memref<1x5x40x256xf32, #tpu.memory_space<vmem>>
          %parallel_loop3A_441 = tpu.memref_squeeze %parallel_loop3A_440 : memref<1x5x40x256xf32, #tpu.memory_space<vmem>> -> memref<5x40x256xf32, #tpu.memory_space<vmem>>
          %parallel_loop3A_442 = arith.index_cast %parallel_loop3A_436 : i32 to index
          %parallel_loop3A_443 = arith.index_cast %parallel_loop3A_404 : i32 to index
          %parallel_loop3A_444 = arith.index_cast %parallel_loop3A_420 : i32 to index
          %parallel_loop3A_445 = tpu.vector_load %parallel_loop3A_441[%parallel_loop3A_442, %parallel_loop3A_443, %parallel_loop3A_444] {strides = array<i32>} : memref<5x40x256xf32, #tpu.memory_space<vmem>>, vector<16xf32>,
          tpu.vector_store %parallel_loop3A_441[%parallel_loop3A_442, %parallel_loop3A_443, %parallel_loop3A_444], %parallel_loop3A_435 {strides = array<i32>} : memref<5x40x256xf32, #tpu.memory_space<vmem>>, vector<16xf32>,
          %parallel_loop3A_446 = arith.constant 16 : i32
          %parallel_loop3A_447 = vector.broadcast %parallel_loop3A_446 : i32 to vector<16xi32>
          %parallel_loop3A_448 = arith.addi %parallel_loop3A_431, %parallel_loop3A_447 : vector<16xi32>
          %parallel_loop3A_449 = tpu.vector_load_idx %arg5[%parallel_loop3A_448] : memref<1600xf32, #tpu.memory_space<vmem>>[vector<16xi32>], vector<16xf32>,
          %parallel_loop3A_450 = arith.constant 1 : i32
          %parallel_loop3A_451 = arith.constant 0 : i32
          %parallel_loop3A_452 = arith.constant 0 : i32
          %parallel_loop3A_453 = arith.constant 0 : i32
          %parallel_loop3A_454 = tpu.memref_slice %run_scoped3A_8[%rem3A_299, %parallel_loop3A_451, %parallel_loop3A_452, %parallel_loop3A_453] : memref<2x5x40x256xf32, #tpu.memory_space<vmem>> -> memref<1x5x40x256xf32, #tpu.memory_space<vmem>>
          %parallel_loop3A_455 = tpu.memref_squeeze %parallel_loop3A_454 : memref<1x5x40x256xf32, #tpu.memory_space<vmem>> -> memref<5x40x256xf32, #tpu.memory_space<vmem>>
          %parallel_loop3A_456 = arith.index_cast %parallel_loop3A_450 : i32 to index
          %parallel_loop3A_457 = arith.index_cast %parallel_loop3A_404 : i32 to index
          %parallel_loop3A_458 = arith.index_cast %parallel_loop3A_420 : i32 to index
          %parallel_loop3A_459 = tpu.vector_load %parallel_loop3A_455[%parallel_loop3A_456, %parallel_loop3A_457, %parallel_loop3A_458] {strides = array<i32>} : memref<5x40x256xf32, #tpu.memory_space<vmem>>, vector<16xf32>,
          tpu.vector_store %parallel_loop3A_455[%parallel_loop3A_456, %parallel_loop3A_457, %parallel_loop3A_458], %parallel_loop3A_449 {strides = array<i32>} : memref<5x40x256xf32, #tpu.memory_space<vmem>>, vector<16xf32>,
          %parallel_loop3A_460 = arith.constant 32 : i32
          %parallel_loop3A_461 = vector.broadcast %parallel_loop3A_460 : i32 to vector<16xi32>
          %parallel_loop3A_462 = arith.addi %parallel_loop3A_431, %parallel_loop3A_461 : vector<16xi32>
          %parallel_loop3A_463 = tpu.vector_load_idx %arg5[%parallel_loop3A_462] : memref<1600xf32, #tpu.memory_space<vmem>>[vector<16xi32>], vector<16xf32>,
          %parallel_loop3A_464 = arith.constant 2 : i32
          %parallel_loop3A_465 = arith.constant 0 : i32
          %parallel_loop3A_466 = arith.constant 0 : i32
          %parallel_loop3A_467 = arith.constant 0 : i32
          %parallel_loop3A_468 = tpu.memref_slice %run_scoped3A_8[%rem3A_299, %parallel_loop3A_465, %parallel_loop3A_466, %parallel_loop3A_467] : memref<2x5x40x256xf32, #tpu.memory_space<vmem>> -> memref<1x5x40x256xf32, #tpu.memory_space<vmem>>
          %parallel_loop3A_469 = tpu.memref_squeeze %parallel_loop3A_468 : memref<1x5x40x256xf32, #tpu.memory_space<vmem>> -> memref<5x40x256xf32, #tpu.memory_space<vmem>>
          %parallel_loop3A_470 = arith.index_cast %parallel_loop3A_464 : i32 to index
          %parallel_loop3A_471 = arith.index_cast %parallel_loop3A_404 : i32 to index
          %parallel_loop3A_472 = arith.index_cast %parallel_loop3A_420 : i32 to index
          %parallel_loop3A_473 = tpu.vector_load %parallel_loop3A_469[%parallel_loop3A_470, %parallel_loop3A_471, %parallel_loop3A_472] {strides = array<i32>} : memref<5x40x256xf32, #tpu.memory_space<vmem>>, vector<16xf32>,
          tpu.vector_store %parallel_loop3A_469[%parallel_loop3A_470, %parallel_loop3A_471, %parallel_loop3A_472], %parallel_loop3A_463 {strides = array<i32>} : memref<5x40x256xf32, #tpu.memory_space<vmem>>, vector<16xf32>,
          %parallel_loop3A_474 = arith.constant 48 : i32
          %parallel_loop3A_475 = vector.broadcast %parallel_loop3A_474 : i32 to vector<16xi32>
          %parallel_loop3A_476 = arith.addi %parallel_loop3A_431, %parallel_loop3A_475 : vector<16xi32>
          %parallel_loop3A_477 = tpu.vector_load_idx %arg5[%parallel_loop3A_476] : memref<1600xf32, #tpu.memory_space<vmem>>[vector<16xi32>], vector<16xf32>,
          %parallel_loop3A_478 = arith.constant 3 : i32
          %parallel_loop3A_479 = arith.constant 0 : i32
          %parallel_loop3A_480 = arith.constant 0 : i32
          %parallel_loop3A_481 = arith.constant 0 : i32
          %parallel_loop3A_482 = tpu.memref_slice %run_scoped3A_8[%rem3A_299, %parallel_loop3A_479, %parallel_loop3A_480, %parallel_loop3A_481] : memref<2x5x40x256xf32, #tpu.memory_space<vmem>> -> memref<1x5x40x256xf32, #tpu.memory_space<vmem>>
          %parallel_loop3A_483 = tpu.memref_squeeze %parallel_loop3A_482 : memref<1x5x40x256xf32, #tpu.memory_space<vmem>> -> memref<5x40x256xf32, #tpu.memory_space<vmem>>
          %parallel_loop3A_484 = arith.index_cast %parallel_loop3A_478 : i32 to index
          %parallel_loop3A_485 = arith.index_cast %parallel_loop3A_404 : i32 to index
          %parallel_loop3A_486 = arith.index_cast %parallel_loop3A_420 : i32 to index
          %parallel_loop3A_487 = tpu.vector_load %parallel_loop3A_483[%parallel_loop3A_484, %parallel_loop3A_485, %parallel_loop3A_486] {strides = array<i32>} : memref<5x40x256xf32, #tpu.memory_space<vmem>>, vector<16xf32>,
          tpu.vector_store %parallel_loop3A_483[%parallel_loop3A_484, %parallel_loop3A_485, %parallel_loop3A_486], %parallel_loop3A_477 {strides = array<i32>} : memref<5x40x256xf32, #tpu.memory_space<vmem>>, vector<16xf32>,
          %parallel_loop3A_488 = arith.constant 64 : i32
          %parallel_loop3A_489 = vector.broadcast %parallel_loop3A_488 : i32 to vector<16xi32>
          %parallel_loop3A_490 = arith.addi %parallel_loop3A_431, %parallel_loop3A_489 : vector<16xi32>
          %parallel_loop3A_491 = tpu.vector_load_idx %arg5[%parallel_loop3A_490] : memref<1600xf32, #tpu.memory_space<vmem>>[vector<16xi32>], vector<16xf32>,
          %parallel_loop3A_492 = arith.constant 4 : i32
          %parallel_loop3A_493 = arith.constant 0 : i32
          %parallel_loop3A_494 = arith.constant 0 : i32
          %parallel_loop3A_495 = arith.constant 0 : i32
          %parallel_loop3A_496 = tpu.memref_slice %run_scoped3A_8[%rem3A_299, %parallel_loop3A_493, %parallel_loop3A_494, %parallel_loop3A_495] : memref<2x5x40x256xf32, #tpu.memory_space<vmem>> -> memref<1x5x40x256xf32, #tpu.memory_space<vmem>>
          %parallel_loop3A_497 = tpu.memref_squeeze %parallel_loop3A_496 : memref<1x5x40x256xf32, #tpu.memory_space<vmem>> -> memref<5x40x256xf32, #tpu.memory_space<vmem>>
          %parallel_loop3A_498 = arith.index_cast %parallel_loop3A_492 : i32 to index
          %parallel_loop3A_499 = arith.index_cast %parallel_loop3A_404 : i32 to index
          %parallel_loop3A_500 = arith.index_cast %parallel_loop3A_420 : i32 to index
          %parallel_loop3A_501 = tpu.vector_load %parallel_loop3A_497[%parallel_loop3A_498, %parallel_loop3A_499, %parallel_loop3A_500] {strides = array<i32>} : memref<5x40x256xf32, #tpu.memory_space<vmem>>, vector<16xf32>,
          tpu.vector_store %parallel_loop3A_497[%parallel_loop3A_498, %parallel_loop3A_499, %parallel_loop3A_500], %parallel_loop3A_491 {strides = array<i32>} : memref<5x40x256xf32, #tpu.memory_space<vmem>>, vector<16xf32>,
        } {sc.loop_unroll_factor = 16 : i64, sc.parallel_access}
        "tpu.trace_stop"() : () -> ()
        %ne3A_302 = arith.cmpi ne, %add3A_201, %add3A_237 : i32
        %ne3A_303 = arith.cmpi ne, %add3A_202, %add3A_238 : i32
        %or3A_304 = arith.constant false
        %or3A_305 = arith.ori %or3A_304, %ne3A_302 : i1
        %or3A_306 = arith.ori %or3A_305, %ne3A_303 : i1
        %or3A_307 = arith.ori %or3A_306, %eq3A_199 : i1
        %convert_element_type3A_308 = arith.extui %or3A_307 : i1 to i32
        %cond3A_309 = arith.constant 0 : i32
        %cond3A_310 = arith.cmpi ne, %convert_element_type3A_308, %cond3A_309 : i32
        scf.if %cond3A_310 {
        } else {
        }
        %and3A_311 = arith.constant false
        %and3A_312 = arith.andi %or3A_307, %and3A_311 : i1
        %ne3A_313 = arith.cmpi ne, %add3A_201, %add3A_237 : i32
        %ne3A_314 = arith.cmpi ne, %add3A_202, %add3A_238 : i32
        %or3A_315 = arith.constant false
        %or3A_316 = arith.ori %or3A_315, %ne3A_313 : i1
        %or3A_317 = arith.ori %or3A_316, %ne3A_314 : i1
        %or3A_318 = arith.ori %or3A_317, %eq3A_199 : i1
        %convert_element_type3A_319 = arith.extui %or3A_318 : i1 to i32
        %cond3A_320 = arith.constant 0 : i32
        %cond3A_321 = arith.cmpi ne, %convert_element_type3A_319, %cond3A_320 : i32
        scf.if %cond3A_321 {
          "tpu.trace_start"() <{level = 10 : i32, message = "ep_copy_out"}> : () -> ()
          %rem3A_380 = arith.constant 2 : i32
          %rem3A_381 = arith.remui %scan3A_192, %rem3A_380 : i32
          %mul3A_382 = arith.constant 40 : i32
          %mul3A_383 = arith.muli %mul3A_382, %add3A_201 : i32
          %mul3A_384 = arith.constant 256 : i32
          %mul3A_385 = arith.muli %mul3A_384, %add3A_202 : i32
          %dma_start3A_386 = arith.constant 0 : i32
          %dma_start3A_387 = arith.constant 0 : i32
          %dma_start3A_388 = arith.constant 0 : i32
          %dma_start3A_389 = tpu.memref_slice %run_scoped3A_8[%rem3A_381, %dma_start3A_386, %dma_start3A_387, %dma_start3A_388] : memref<2x5x40x256xf32, #tpu.memory_space<vmem>> -> memref<1x5x40x256xf32, #tpu.memory_space<vmem>>
          %dma_start3A_390 = tpu.memref_squeeze %dma_start3A_389 : memref<1x5x40x256xf32, #tpu.memory_space<vmem>> -> memref<5x40x256xf32, #tpu.memory_space<vmem>>
          %dma_start3A_391 = arith.constant 0 : i32
          %dma_start3A_392 = tpu.memref_slice %arg4[%dma_start3A_391, %mul3A_383, %mul3A_385] : memref<5x200x16384xf32, #tpu.memory_space<hbm>> -> memref<5x40x256xf32, #tpu.memory_space<hbm>>
          %dma_start3A_393 = tpu.memref_slice %run_scoped3A_9[%rem3A_381] : memref<2x!tpu.dma_semaphore, #tpu.memory_space<semaphore_mem>> -> memref<1x!tpu.dma_semaphore, #tpu.memory_space<semaphore_mem>>
          %dma_start3A_394 = tpu.memref_squeeze %dma_start3A_393 : memref<1x!tpu.dma_semaphore, #tpu.memory_space<semaphore_mem>> -> memref<!tpu.dma_semaphore, #tpu.memory_space<semaphore_mem>>
          %dma_start3A_395 = arith.constant 0 : i32
          %dma_start3A_396 = tpu.memref_slice %arg4[%dma_start3A_395, %mul3A_383, %mul3A_385] : memref<5x200x16384xf32, #tpu.memory_space<hbm>> -> memref<5x40x256xf32, #tpu.memory_space<hbm>>
          %dma_start3A_397 = arith.constant 0 : i32
          %dma_start3A_398 = arith.constant 0 : i32
          %dma_start3A_399 = arith.constant 0 : i32
          %dma_start3A_400 = tpu.memref_slice %run_scoped3A_8[%rem3A_381, %dma_start3A_397, %dma_start3A_398, %dma_start3A_399] : memref<2x5x40x256xf32, #tpu.memory_space<vmem>> -> memref<1x5x40x256xf32, #tpu.memory_space<vmem>>
          %dma_start3A_401 = tpu.memref_squeeze %dma_start3A_400 : memref<1x5x40x256xf32, #tpu.memory_space<vmem>> -> memref<5x40x256xf32, #tpu.memory_space<vmem>>
          tpu.enqueue_dma source(%dma_start3A_401 : memref<5x40x256xf32, #tpu.memory_space<vmem>>) target(%dma_start3A_396 : memref<5x40x256xf32, #tpu.memory_space<hbm>>) target_semaphore(%dma_start3A_394 : memref<!tpu.dma_semaphore, #tpu.memory_space<semaphore_mem>>)
          "tpu.trace_stop"() : () -> ()
        } else {
        }
        %and3A_322 = arith.constant true
        %and3A_323 = arith.andi %or3A_318, %and3A_322 : i1
        %add3A_324 = arith.constant 1 : i32
        %add3A_325 = arith.addi %scan3A_192, %add3A_324 : i32
        %select_n3A_326 = arith.select %and3A_323, %add3A_325, %scan3A_192 : i32
        %ne3A_327 = arith.cmpi ne, %add3A_201, %add3A_219 : i32
        %ne3A_328 = arith.cmpi ne, %add3A_202, %add3A_220 : i32
        %or3A_329 = arith.constant false
        %or3A_330 = arith.ori %or3A_329, %ne3A_327 : i1
        %or3A_331 = arith.ori %or3A_330, %ne3A_328 : i1
        %not3A_332 = arith.constant true
        %not3A_333 = arith.xori %eq3A_197, %not3A_332 : i1
        %and3A_334 = arith.andi %or3A_331, %not3A_333 : i1
        %convert_element_type3A_335 = arith.extui %and3A_334 : i1 to i32
        %cond3A_336 = arith.constant 0 : i32
        %cond3A_337 = arith.cmpi ne, %convert_element_type3A_335, %cond3A_336 : i32
        scf.if %cond3A_337 {
        } else {
        }
        %and3A_338 = arith.constant false
        %and3A_339 = arith.andi %and3A_334, %and3A_338 : i1
        %ne3A_340 = arith.cmpi ne, %add3A_201, %add3A_219 : i32
        %ne3A_341 = arith.cmpi ne, %add3A_202, %add3A_220 : i32
        %or3A_342 = arith.constant false
        %or3A_343 = arith.ori %or3A_342, %ne3A_340 : i1
        %or3A_344 = arith.ori %or3A_343, %ne3A_341 : i1
        %not3A_345 = arith.constant true
        %not3A_346 = arith.xori %eq3A_197, %not3A_345 : i1
        %and3A_347 = arith.andi %or3A_344, %not3A_346 : i1
        %convert_element_type3A_348 = arith.extui %and3A_347 : i1 to i32
        %cond3A_349 = arith.constant 0 : i32
        %cond3A_350 = arith.cmpi ne, %convert_element_type3A_348, %cond3A_349 : i32
        scf.if %cond3A_350 {
          "tpu.trace_start"() <{level = 10 : i32, message = "ep_wait_out"}> : () -> ()
          %rem3A_380 = arith.constant 2 : i32
          %rem3A_381 = arith.remui %scan3A_193, %rem3A_380 : i32
          %mul3A_382 = arith.constant 40 : i32
          %mul3A_383 = arith.muli %mul3A_382, %add3A_219 : i32
          %mul3A_384 = arith.constant 256 : i32
          %mul3A_385 = arith.muli %mul3A_384, %add3A_220 : i32
          %dma_wait3A_386 = arith.constant 0 : i32
          %dma_wait3A_387 = arith.constant 0 : i32
          %dma_wait3A_388 = arith.constant 0 : i32
          %dma_wait3A_389 = tpu.memref_slice %run_scoped3A_8[%rem3A_381, %dma_wait3A_386, %dma_wait3A_387, %dma_wait3A_388] : memref<2x5x40x256xf32, #tpu.memory_space<vmem>> -> memref<1x5x40x256xf32, #tpu.memory_space<vmem>>
          %dma_wait3A_390 = tpu.memref_squeeze %dma_wait3A_389 : memref<1x5x40x256xf32, #tpu.memory_space<vmem>> -> memref<5x40x256xf32, #tpu.memory_space<vmem>>
          %dma_wait3A_391 = arith.constant 0 : i32
          %dma_wait3A_392 = tpu.memref_slice %arg4[%dma_wait3A_391, %mul3A_383, %mul3A_385] : memref<5x200x16384xf32, #tpu.memory_space<hbm>> -> memref<5x40x256xf32, #tpu.memory_space<hbm>>
          %dma_wait3A_393 = tpu.memref_slice %run_scoped3A_9[%rem3A_381] : memref<2x!tpu.dma_semaphore, #tpu.memory_space<semaphore_mem>> -> memref<1x!tpu.dma_semaphore, #tpu.memory_space<semaphore_mem>>
          %dma_wait3A_394 = tpu.memref_squeeze %dma_wait3A_393 : memref<1x!tpu.dma_semaphore, #tpu.memory_space<semaphore_mem>> -> memref<!tpu.dma_semaphore, #tpu.memory_space<semaphore_mem>>
          %dma_wait3A_395 = arith.constant 0 : i32
          %dma_wait3A_396 = tpu.memref_slice %arg4[%dma_wait3A_395, %mul3A_383, %mul3A_385] : memref<5x200x16384xf32, #tpu.memory_space<hbm>> -> memref<5x40x256xf32, #tpu.memory_space<hbm>>
          %dma_wait3A_397 = arith.constant 0 : i32
          %dma_wait3A_398 = arith.constant 0 : i32
          %dma_wait3A_399 = arith.constant 0 : i32
          %dma_wait3A_400 = tpu.memref_slice %run_scoped3A_8[%rem3A_381, %dma_wait3A_397, %dma_wait3A_398, %dma_wait3A_399] : memref<2x5x40x256xf32, #tpu.memory_space<vmem>> -> memref<1x5x40x256xf32, #tpu.memory_space<vmem>>
          %dma_wait3A_401 = tpu.memref_squeeze %dma_wait3A_400 : memref<1x5x40x256xf32, #tpu.memory_space<vmem>> -> memref<5x40x256xf32, #tpu.memory_space<vmem>>
          tpu.wait_dma2 semaphore(%dma_wait3A_394 : memref<!tpu.dma_semaphore, #tpu.memory_space<semaphore_mem>>) src(%dma_wait3A_401 : memref<5x40x256xf32, #tpu.memory_space<vmem>>) dst(%dma_wait3A_396 : memref<5x40x256xf32, #tpu.memory_space<hbm>>)
          "tpu.trace_stop"() : () -> ()
        } else {
        }
        %and3A_351 = arith.constant true
        %and3A_352 = arith.andi %and3A_347, %and3A_351 : i1
        %add3A_353 = arith.constant 1 : i32
        %add3A_354 = arith.addi %scan3A_193, %add3A_353 : i32
        %select_n3A_355 = arith.select %and3A_352, %add3A_354, %scan3A_193 : i32
        %ne3A_356 = arith.cmpi ne, %add3A_201, %add3A_237 : i32
        %ne3A_357 = arith.cmpi ne, %add3A_202, %add3A_238 : i32
        %or3A_358 = arith.constant false
        %or3A_359 = arith.ori %or3A_358, %ne3A_356 : i1
        %or3A_360 = arith.ori %or3A_359, %ne3A_357 : i1
        %or3A_361 = arith.ori %or3A_360, %eq3A_199 : i1
        %add3A_362 = arith.constant 1 : i32
        %add3A_363 = arith.addi %scan3A_191, %add3A_362 : i32
        %select_n3A_364 = arith.select %or3A_361, %add3A_363, %scan3A_191 : i32
        %add3A_365 = arith.constant 1 : i32
        %add3A_366 = arith.addi %scan3A_195, %add3A_365 : i32
        %select_n3A_367 = arith.constant true
        %select_n3A_368 = arith.select %select_n3A_367, %add3A_366, %scan3A_195 : i32
        %eq3A_369 = arith.constant 2 : i32
        %eq3A_370 = arith.cmpi eq, %select_n3A_368, %eq3A_369 : i32
        %select_n3A_371 = arith.constant 0 : i32
        %select_n3A_372 = arith.select %eq3A_370, %select_n3A_371, %select_n3A_368 : i32
        %add3A_373 = arith.constant 1 : i32
        %add3A_374 = arith.addi %scan3A_194, %add3A_373 : i32
        %select_n3A_375 = arith.select %eq3A_370, %add3A_374, %scan3A_194 : i32
        %eq3A_376 = arith.constant 5 : i32
        %eq3A_377 = arith.cmpi eq, %select_n3A_375, %eq3A_376 : i32
        %select_n3A_378 = arith.constant 0 : i32
        %select_n3A_379 = arith.select %eq3A_377, %select_n3A_378, %select_n3A_375 : i32
        scf.yield %select_n3A_267, %select_n3A_364, %select_n3A_326, %select_n3A_355, %select_n3A_379, %select_n3A_372 : i32, i32, i32, i32, i32, i32
      }
      %scan3A_96 = arith.constant 10 : i32
      %sub3A = arith.constant 1 : i32
      %sub3A_97 = arith.subi %scan3A_95#5, %sub3A : i32
      %select_n3A_98 = arith.constant true
      %select_n3A_99 = arith.select %select_n3A_98, %sub3A_97, %scan3A_95#5 : i32
      %eq3A_100 = arith.constant -1 : i32
      %eq3A_101 = arith.cmpi eq, %select_n3A_99, %eq3A_100 : i32
      %select_n3A_102 = arith.constant 1 : i32
      %select_n3A_103 = arith.select %eq3A_101, %select_n3A_102, %select_n3A_99 : i32
      %sub3A_104 = arith.constant 1 : i32
      %sub3A_105 = arith.subi %scan3A_95#4, %sub3A_104 : i32
      %select_n3A_106 = arith.select %eq3A_101, %sub3A_105, %scan3A_95#4 : i32
      %eq3A_107 = arith.constant -1 : i32
      %eq3A_108 = arith.cmpi eq, %select_n3A_106, %eq3A_107 : i32
      %select_n3A_109 = arith.constant 4 : i32
      %select_n3A_110 = arith.select %eq3A_108, %select_n3A_109, %select_n3A_106 : i32
      %add3A_111 = arith.constant 0 : i32
      %add3A_112 = arith.addi %select_n3A_110, %add3A_111 : i32
      %add3A_113 = arith.addi %select_n3A_103, %mul3A_6 : i32
      %sub3A_114 = arith.constant 1 : i32
      %sub3A_115 = arith.subi %select_n3A_103, %sub3A_114 : i32
      %select_n3A_116 = arith.constant true
      %select_n3A_117 = arith.select %select_n3A_116, %sub3A_115, %select_n3A_103 : i32
      %eq3A_118 = arith.constant -1 : i32
      %eq3A_119 = arith.cmpi eq, %select_n3A_117, %eq3A_118 : i32
      %select_n3A_120 = arith.constant 1 : i32
      %select_n3A_121 = arith.select %eq3A_119, %select_n3A_120, %select_n3A_117 : i32
      %sub3A_122 = arith.constant 1 : i32
      %sub3A_123 = arith.subi %select_n3A_110, %sub3A_122 : i32
      %select_n3A_124 = arith.select %eq3A_119, %sub3A_123, %select_n3A_110 : i32
      %eq3A_125 = arith.constant -1 : i32
      %eq3A_126 = arith.cmpi eq, %select_n3A_124, %eq3A_125 : i32
      %select_n3A_127 = arith.constant 4 : i32
      %select_n3A_128 = arith.select %eq3A_126, %select_n3A_127, %select_n3A_124 : i32
      %add3A_129 = arith.constant 0 : i32
      %add3A_130 = arith.addi %select_n3A_128, %add3A_129 : i32
      %add3A_131 = arith.addi %select_n3A_121, %mul3A_6 : i32
      %add3A_132 = arith.constant 1 : i32
      %add3A_133 = arith.addi %select_n3A_103, %add3A_132 : i32
      %select_n3A_134 = arith.constant true
      %select_n3A_135 = arith.select %select_n3A_134, %add3A_133, %select_n3A_103 : i32
      %eq3A_136 = arith.constant 2 : i32
      %eq3A_137 = arith.cmpi eq, %select_n3A_135, %eq3A_136 : i32
      %select_n3A_138 = arith.constant 0 : i32
      %select_n3A_139 = arith.select %eq3A_137, %select_n3A_138, %select_n3A_135 : i32
      %add3A_140 = arith.constant 1 : i32
      %add3A_141 = arith.addi %select_n3A_110, %add3A_140 : i32
      %select_n3A_142 = arith.select %eq3A_137, %add3A_141, %select_n3A_110 : i32
      %eq3A_143 = arith.constant 5 : i32
      %eq3A_144 = arith.cmpi eq, %select_n3A_142, %eq3A_143 : i32
      %select_n3A_145 = arith.constant 0 : i32
      %select_n3A_146 = arith.select %eq3A_144, %select_n3A_145, %select_n3A_142 : i32
      %add3A_147 = arith.constant 0 : i32
      %add3A_148 = arith.addi %select_n3A_146, %add3A_147 : i32
      %add3A_149 = arith.addi %select_n3A_139, %mul3A_6 : i32
      %add3A_150 = arith.constant 1 : i32
      %add3A_151 = arith.addi %select_n3A_139, %add3A_150 : i32
      %select_n3A_152 = arith.constant true
      %select_n3A_153 = arith.select %select_n3A_152, %add3A_151, %select_n3A_139 : i32
      %eq3A_154 = arith.constant 2 : i32
      %eq3A_155 = arith.cmpi eq, %select_n3A_153, %eq3A_154 : i32
      %select_n3A_156 = arith.constant 0 : i32
      %select_n3A_157 = arith.select %eq3A_155, %select_n3A_156, %select_n3A_153 : i32
      %add3A_158 = arith.constant 1 : i32
      %add3A_159 = arith.addi %select_n3A_146, %add3A_158 : i32
      %select_n3A_160 = arith.select %eq3A_155, %add3A_159, %select_n3A_146 : i32
      %eq3A_161 = arith.constant 5 : i32
      %eq3A_162 = arith.cmpi eq, %select_n3A_160, %eq3A_161 : i32
      %select_n3A_163 = arith.constant 0 : i32
      %select_n3A_164 = arith.select %eq3A_162, %select_n3A_163, %select_n3A_160 : i32
      %add3A_165 = arith.constant 0 : i32
      %add3A_166 = arith.addi %select_n3A_164, %add3A_165 : i32
      %add3A_167 = arith.addi %select_n3A_157, %mul3A_6 : i32
      "tpu.trace_start"() <{level = 10 : i32, message = "ep_finalize"}> : () -> ()
      %rem3A_168 = arith.constant 2 : i32
      %rem3A_169 = arith.remui %scan3A_95#3, %rem3A_168 : i32
      %mul3A_170 = arith.constant 40 : i32
      %mul3A_171 = arith.muli %mul3A_170, %add3A_112 : i32
      %mul3A_172 = arith.constant 256 : i32
      %mul3A_173 = arith.muli %mul3A_172, %add3A_113 : i32
      %dma_wait3A = arith.constant 0 : i32
      %dma_wait3A_174 = arith.constant 0 : i32
      %dma_wait3A_175 = arith.constant 0 : i32
      %dma_wait3A_176 = tpu.memref_slice %run_scoped3A_8[%rem3A_169, %dma_wait3A, %dma_wait3A_174, %dma_wait3A_175] : memref<2x5x40x256xf32, #tpu.memory_space<vmem>> -> memref<1x5x40x256xf32, #tpu.memory_space<vmem>>
      %dma_wait3A_177 = tpu.memref_squeeze %dma_wait3A_176 : memref<1x5x40x256xf32, #tpu.memory_space<vmem>> -> memref<5x40x256xf32, #tpu.memory_space<vmem>>
      %dma_wait3A_178 = arith.constant 0 : i32
      %dma_wait3A_179 = tpu.memref_slice %arg4[%dma_wait3A_178, %mul3A_171, %mul3A_173] : memref<5x200x16384xf32, #tpu.memory_space<hbm>> -> memref<5x40x256xf32, #tpu.memory_space<hbm>>
      %dma_wait3A_180 = tpu.memref_slice %run_scoped3A_9[%rem3A_169] : memref<2x!tpu.dma_semaphore, #tpu.memory_space<semaphore_mem>> -> memref<1x!tpu.dma_semaphore, #tpu.memory_space<semaphore_mem>>
      %dma_wait3A_181 = tpu.memref_squeeze %dma_wait3A_180 : memref<1x!tpu.dma_semaphore, #tpu.memory_space<semaphore_mem>> -> memref<!tpu.dma_semaphore, #tpu.memory_space<semaphore_mem>>
      %dma_wait3A_182 = arith.constant 0 : i32
      %dma_wait3A_183 = tpu.memref_slice %arg4[%dma_wait3A_182, %mul3A_171, %mul3A_173] : memref<5x200x16384xf32, #tpu.memory_space<hbm>> -> memref<5x40x256xf32, #tpu.memory_space<hbm>>
      %dma_wait3A_184 = arith.constant 0 : i32
      %dma_wait3A_185 = arith.constant 0 : i32
      %dma_wait3A_186 = arith.constant 0 : i32
      %dma_wait3A_187 = tpu.memref_slice %run_scoped3A_8[%rem3A_169, %dma_wait3A_184, %dma_wait3A_185, %dma_wait3A_186] : memref<2x5x40x256xf32, #tpu.memory_space<vmem>> -> memref<1x5x40x256xf32, #tpu.memory_space<vmem>>
      %dma_wait3A_188 = tpu.memref_squeeze %dma_wait3A_187 : memref<1x5x40x256xf32, #tpu.memory_space<vmem>> -> memref<5x40x256xf32, #tpu.memory_space<vmem>>
      tpu.wait_dma2 semaphore(%dma_wait3A_181 : memref<!tpu.dma_semaphore, #tpu.memory_space<semaphore_mem>>) src(%dma_wait3A_188 : memref<5x40x256xf32, #tpu.memory_space<vmem>>) dst(%dma_wait3A_183 : memref<5x40x256xf32, #tpu.memory_space<hbm>>)
      "tpu.trace_stop"() : () -> ()
      tpu.yield
    }) : () -> ()
    return
  }
}

</mosaic_0001>

<sc_bundles>
// kernel: kernel.3.cloned.1.call-start
scs
__scs_entry_jumppad:
0x0: {  	(pc) =	sbr.rel $0x88, $3  }
0x1: {  	(tag) =	ssettag $0x0;
	lr =	simm.s32 $0x1  }
0x2: {  	[smem:$0x3F9F] =	sst lr;
	_ =	strace $0xD0000000  }
0x3: {  	_ = 	snop  }
0x4: {  	_ = 	snop  }
0x5: {  	_ = 	snop  }
0x6: {  	_ = 	snop  }
0x7: {  	_ = 	snop  }
__scs_overlays_trampoline_lowered:
0x8: {  	[smem:$0x3FAE] =	sst s0  }
0x9: {  	[smem:$0x3FAF] =	sst s1  }
0xa: {  	[smem:$0x3FB0] =	sst s2  }
0xb: {  	[smem:$0x3FB1] =	sst s3  }
0xc: {  	[smem:$0x3FB2] =	sst s4  }
0xd: {  	[smem:$0x3FB3] =	sst s5  }
0xe: {  	[smem:$0x3FB4] =	sst s6  }
0xf: {  	[smem:$0x3FB5] =	sst s7  }
0x10: {  	[smem:$0x3FB6] =	sst s8  }
0x11: {  	[smem:$0x3FB7] =	sst s9;
	s0 =	simm.s32 @!p0 $0x0  }
0x12: {  	s1 =	sld [smem:$0x3F9D];
	s0 =	simm.s32 @p0 $0x1  }
0x13: {  	[smem:$0x3FB8] =	sst s0;
	s0 =	simm.s32 @!p1 $0x0  }
0x14: {  	s2 =	sld [smem:$0x3F9C];
	s0 =	simm.s32 @p1 $0x1  }
0x15: {  	[smem:$0x3FB9] =	sst s0;
	s0 =	simm.s32 @!p2 $0x0  }
0x16: {  	s3 =	sld [smem:$0x3FDB];
	s0 =	simm.s32 @p2 $0x1  }
0x17: {  	s4 =	simm.s32 $0x1BF5;
	[smem:$0x3FBB] =	sst s0  }
0x18: {  	s0 =	sld [smem:$0x3F9E];
	_ =	swait.ge [sflag:s4], $0x0  }
0x19: {  	s7 =	sld [smem:$0x3F9F]  }
0x1a: {  	s8 =	sadd.s32 $0xFFFFE003, lr  }
0x1b: {  	s9 =	sadd.s32 $0xFFFFFEF7, lr;
	s5 =	simm.s32 $0xFFFFFFFF;
	p2 =	slt.u32 s8, $0xFFFFF086  }
0x1c: {  	p1 =	slt.u32 s9, $0xF7A;
	s5 =	simm.s32 @!p2 $0x0  }
0x1d: {  	s5 =	simm.s32 @p1 $0x1;
	p0 =	seq.s32 s7, s2  }
0x1e: {  	s7 =	smul.u32 @!p0 $0xF7A, s2;
	p2 =	seq.s32 @!p0 s5, $0x0  }
0x1f: {  	s9 =	smul.u32 $0xF7A, s1;
	s8 =	simm.s32 @!p0 $0x1BF5;
	p2 =	por !p2, p0  }
0x20: {  	[sflag:s8] =	ssyncset.s32 @!p0 $0xFFFFF086;
	s6 =	sadd.s32 @!p0 s3, s7;
	s7 =	simm.s32 @!p0 $0x108  }
0x21: {  	s3 =	sadd.s32 s3, s9;
	s6 =	sadd.s32 @!p0 $0x88, s6;
	s7 =	simm.s32 @p2 $0x1082  }
0x22: {  	[simem:s7], [sflag:s8] =	dma.local @!p0 [hbm:s6], $0xF7A  }
0x23: {  	s9 =	sor.u32 $0xD0000000, s2;
	s6 =	simm.s32 $0x108;
	_ =	swait.ge @!p0 [sflag:s8], $0x0  }
0x24: {  	s3 =	sadd.s32 $0x88, s3;
	s6 =	simm.s32 @!p1 $0x1082;
	[sflag:s4] =	ssyncset.s32 $0xFFFFF086  }
0x25: {  	[simem:s6], [sflag:s4] =	dma.local [hbm:s3], $0xF7A  }
0x26: {  	[smem:$0x3F9F] =	sst s1;
	(tag) =	ssettag s2;
	_ =	strace s9  }
0x27: {  	s1 =	sld [smem:$0x3FAF]  }
0x28: {  	s2 =	sld [smem:$0x3FB0]  }
0x29: {  	s4 =	sld [smem:$0x3FB2]  }
0x2a: {  	p0 =	seq.s32 s5, $0x0;
	s5 =	sld [smem:$0x3FB3]  }
0x2b: {  	s6 =	sld [smem:$0x3FB4]  }
0x2c: {  	s7 =	sld [smem:$0x3FB5]  }
0x2d: {  	s3 =	simm.s32 $0x108;
	s8 =	sld [smem:$0x3FB6]  }
0x2e: {  	s3 =	simm.s32 @!p0 $0x1082;
	s9 =	sld [smem:$0x3FB7]  }
0x2f: {  	lr =	sadd.s32 s0, s3;
	s0 =	sld [smem:$0x3FAE]  }
0x30: {  	s3 =	sld [smem:$0x3FB1]  }
0x31: {  	[smem:$0x3FBA] =	sst s10  }
0x32: {  	s10 =	sld [smem:$0x3FB8];
	_ =	sdelay $0x3  }
0x33: {  	p0 =	seq.s32 s10, $0x1;
	s10 =	sld [smem:$0x3FBA];
	_ =	sdelay $0x3  }
0x34: {  	[smem:$0x3FBA] =	sst s10  }
0x35: {  	s10 =	sld [smem:$0x3FB9];
	_ =	sdelay $0x3  }
0x36: {  	p1 =	seq.s32 s10, $0x1;
	s10 =	sld [smem:$0x3FBA];
	_ =	sdelay $0x3  }
0x37: {  	[smem:$0x3FBA] =	sst s10  }
0x38: {  	s10 =	sld [smem:$0x3FBB]  }
0x39: {  	_ = 	snop;
	(pc) =	sbr.ind lr, $3  }
0x3a: {  	_ = 	snop  }
0x3b: {  	_ = 	snop  }
0x3c: {  	p2 =	seq.s32 s10, $0x1;
	s10 =	sld [smem:$0x3FBA]  }
0x3d: {  	_ =	shalt  }
0x3e: {  	_ =	shalt  }
0x3f: {  	_ =	shalt  }
0x40: {  	_ =	shalt  }
0x41: {  	_ =	shalt  }
0x42: {  	_ =	shalt  }
0x43: {  	_ =	shalt  }
0x44: {  	_ =	shalt  }
0x45: {  	_ =	shalt  }
0x46: {  	_ =	shalt  }
0x47: {  	_ =	shalt  }
0x48: {  	_ =	shalt  }
0x49: {  	_ =	shalt  }
0x4a: {  	_ =	shalt  }
0x4b: {  	_ =	shalt  }
0x4c: {  	_ =	shalt  }
0x4d: {  	_ =	shalt  }
0x4e: {  	_ =	shalt  }
0x4f: {  	_ =	shalt  }
0x50: {  	_ =	shalt  }
0x51: {  	_ =	shalt  }
0x52: {  	_ =	shalt  }
0x53: {  	_ =	shalt  }
0x54: {  	_ =	shalt  }
0x55: {  	_ =	shalt  }
0x56: {  	_ =	shalt  }
0x57: {  	_ =	shalt  }
0x58: {  	_ =	shalt  }
0x59: {  	_ =	shalt  }
0x5a: {  	_ =	shalt  }
0x5b: {  	_ =	shalt  }
0x5c: {  	_ =	shalt  }
0x5d: {  	_ =	shalt  }
0x5e: {  	_ =	shalt  }
0x5f: {  	_ =	shalt  }
0x60: {  	_ =	shalt  }
0x61: {  	_ =	shalt  }
0x62: {  	_ =	shalt  }
0x63: {  	_ =	shalt  }
0x64: {  	_ =	shalt  }
0x65: {  	_ =	shalt  }
0x66: {  	_ =	shalt  }
0x67: {  	_ =	shalt  }
0x68: {  	_ =	shalt  }
0x69: {  	_ =	shalt  }
0x6a: {  	_ =	shalt  }
0x6b: {  	_ =	shalt  }
0x6c: {  	_ =	shalt  }
0x6d: {  	_ =	shalt  }
0x6e: {  	_ =	shalt  }
0x6f: {  	_ =	shalt  }
0x70: {  	_ =	shalt  }
0x71: {  	_ =	shalt  }
0x72: {  	_ =	shalt  }
0x73: {  	_ =	shalt  }
0x74: {  	_ =	shalt  }
0x75: {  	_ =	shalt  }
0x76: {  	_ =	shalt  }
0x77: {  	_ =	shalt  }
0x78: {  	_ =	shalt  }
0x79: {  	_ =	shalt  }
0x7a: {  	_ =	shalt  }
0x7b: {  	_ =	shalt  }
0x7c: {  	_ =	shalt  }
0x7d: {  	_ =	shalt  }
0x7e: {  	_ =	shalt  }
0x7f: {  	_ =	shalt  }
0x80: {  	_ =	shalt  }
0x81: {  	_ =	shalt  }
0x82: {  	_ =	shalt  }
0x83: {  	_ =	shalt  }
0x84: {  	_ =	shalt  }
0x85: {  	_ =	shalt  }
0x86: {  	_ =	shalt  }
0x87: {  	_ =	shalt  }
.Lfunc_end0:
.L_simem_size_0:
called_computation_lowered:
.L_overlay_start_0:
0x88: {  	s2 =	sld [smem:$0x3FD9]  }
0x89: {  	s3 =	sld [smem:$0x3FFE];
	_ =	sdelay $0x1  }
0x8a: {  	s1 =	srdreg.scid  }
0x8b: {  	s0 =	sand.u32 $0x1, s1  }
0x8c: {  	s17 =	sshll.u32 s0, $0xA;
	s2 =	sadd.s32 s3, s2  }
0x8d: {  	s2 =	sadd.s32 s2, s17  }
0x8e: {  	[smem:$0x3FC6] =	sst s2  }
0x8f: {  	_ = 	snop  }
0x90: {  	s2 =	sld [smem:$0x3FC9]  }
0x91: {  	s18 =	sld [smem:$0x3FD0];
	(tm) =	ssettm $0x1  }
0x92: {  	s4 =	sld [smem:$0x3FFB];
	_ =	sdelay $0x3  }
0x93: {  	_ =	strace s4  }
0x94: {  	s4 =	sld [smem:$0x3FFC];
	_ =	sdelay $0x3  }
0x95: {  	_ =	strace s4  }
0x96: {  	s4 =	sld [smem:$0x3FFD];
	_ =	sdelay $0x3  }
0x97: {  	_ =	strace s4  }
0x98: {  	_ =	strace $0x8FFFFFFF  }
0x99: {  	s19 =	sld [smem:$0x3FDB];
	_ =	sdelay $0x1  }
0x9a: {  	s5 =	simm.s32 $_scs_section_size  }
0x9b: {  	s6 =	simm.s32 $_size__tile_overlayer_lowered;
	s7 =	simm.s32 $_tile_overlayer_lowered  }
0x9c: {  	s22 =	simm.s32 $0x1BFF;
	s21 =	sshll.u32 s7, $0x1;
	s4 =	sadd.s32 s5, s19  }
0x9d: {  	s8 =	simm.s32 $0x0;
	s20 =	sshll.u32 s6, $0x1;
	s6 =	sadd.s32 s21, s4  }
0x9e: {  	[timem:s8], [sflag:s22] =	dma.local [hbm:s6], s20  }
0x9f: {  	_ =	swait.ge [sflag:s22], s20  }
0xa0: {  	s5 =	ssub.s32 $0x0, s20;
	[sflag:s22] =	ssyncset.done $0x0  }
0xa1: {  	[sflag:s22] =	ssyncadd.s32 s5;
	_ =	sdelay $0x1  }
0xa2: {  	s23 =	simm.s32 $0x1B8B  }
0xa3: {  	_ =	swait.ge [sflag:s23], $0x1  }
0xa4: {  	[sflag:s23] =	ssyncset.done $0x0  }
0xa5: {  	s25 =	simm.s32 $0x1B8E;
	s24 =	sld [smem:$0x3FFE];
	[sflag:s23] =	ssyncadd.s32 $0xFFFFFFFF  }
0xa6: {  	s26 =	simm.s32 $execute0_lowered;
	[smem:$0x3FD2] =	sst s25  }
0xa7: {  	s6 =	sshll.u32 s26, $0x1;
	_ =	strace $0x80000046;
	[dreg:$0x1] =	wrdreg $0xFFFFFFFF  }
0xa8: {  	s28 =	simm.s32 $_size_execute0_lowered;
	s4 =	sadd.s32 s4, s6;
	[dreg:$0x0] =	wrdreg $0x0  }
0xa9: {  	s6 =	sshll.u32 s28, $0x1;
	[dreg:$0x2] =	wrdreg s4  }
0xaa: {  	[dreg:$0x3] =	wrdreg s6  }
0xab: {  	[dreg:$0x4] =	wrdreg $0xC0  }
0xac: {  	_ =	task [dreg:s8], $0x5FFFF  }
0xad: {  	[dreg:$0x1] =	wrdreg $0xFFFFFFFF  }
0xae: {  	[dreg:$0x0] =	wrdreg $0x60  }
0xaf: {  	[dreg:$0x2] =	wrdreg s24  }
0xb0: {  	[dreg:$0x3] =	wrdreg s2  }
0xb1: {  	[dreg:$0x4] =	wrdreg s18  }
0xb2: {  	[dreg:$0x5] =	wrdreg $0x9  }
0xb3: {  	_ =	task.clear_ibuf [dreg:s8], $0x6FFFF;
	_ =	strace $0x90000046  }
0xb4: {  	s29 =	simm.s32 $0x9;
	_ =	strace $0x8000004F  }
0xb5: {  	_ =	swait.ge [sflag:s29], $0x1  }
0xb6: {  	[sflag:s29] =	ssyncadd.s32 $0xFFFFFFFF  }
0xb7: {  	_ =	strace $0x9000004F  }
0xb8: {  	_ =	sfence  }
0xb9: {  	s30 =	sld [smem:$0x0];
	_ =	sdelay $0x2  }
0xba: {  	s31 =	sshll.u32 s1, $0xD;
	s1 =	sshrl.u32 s1, $0x2  }
0xbb: {  	s3 =	sand.u32 $0x4000, s31;
	s1 =	sadd.s32 s1, s30  }
0xbc: {  	s0 =	sor.u32 s3, s0;
	s1 =	sshll.u32 s1, $0x11  }
0xbd: {  	s0 =	sor.u32 s1, s0  }
0xbe: {  	s0 =	sadd.s32 $0x8F2B, s0  }
0xbf: {  	[sflag:s0] =	ssyncadd.remote.s32 $0x1  }
0xc0: {  	_ =	sfence.sel $0xFFFF  }
0xc1: {  	[dreg:$0x0] =	wrdreg $0xFFFFFFFF;
	(pc) =	sbr.abs _section_cstart, $3  }
0xc2: {  	[dreg:$0x1] =	wrdreg $0xFFFFFFFF  }
0xc3: {  	_ =	task.clear_ibuf [dreg:s8], $0x2FFFF;
	_ =	strace $0x9FFFFFFF  }
0xc4: {  	(tm) =	ssettm $0x7FFFFFFF  }
0xc5: {  	_ =	shalt  }
tec
execute0_lowered:
.L_overlay_start_1:
0x0: {  	(tag) =	ssettag $0x1  }
0x1: {  	s0 =	rddreg [dreg:$0x0]  }
0x2: {  	s5 =	rddreg [dreg:$0x1];
	s4 =	simm.s32 $0x0;
	s1 =	srdreg.scid  }
0x3: {  	s6 =	stileid.u32;
	[smem:$0x7FF] =	sst s4;
	s1 =	sand.u32 $0x1, s1  }
0x4: {  	s0 =	sadd.s32 $0x400, s0;
	s2 =	ssub.s32 $0x2, s1;
	s1 =	sshll.u32 s1, $0x4  }
0x5: {  	_ =	strace $0x80000047;
	[dreg:$0x4] =	wrdreg s0;
	s1 =	sor.u32 s6, s1  }
0x6: {  	s3 =	sshrl.u32 s2, $0x1;
	s30 =	sshll.u32 s1, $0x9;
	s1 =	sshll.u32 s1, $0x1  }
0x7: {  	v45 =	vlaneseq.u32;
	s29 =	ssub.s32 s2, s3;
	[dreg:$0x5] =	wrdreg s1;
	s31 =	sadd.s32 s5, s30  }
0x8: {  	v47 =	vor.u32 $0x10, v45;
	s0 =	smax.u32 s29, $0x1;
	[dreg:$0x6] =	wrdreg s31  }
0x9: {  	v2 =	vor.u32 $0x20, v45;
	v3 =	vor.u32 $0x30, v45;
	v4 =	vor.u32 $0x40, v45;
	s1 =	simm.s32 $0x0;
	[dreg:$0x7] =	wrdreg s0  }
.LBB2_1:
0xa: {  	[dreg:$0x8] =	wrdreg s1  }
0xb: {  	s0 =	rddreg [dreg:$0x4];
	s29 =	simm.s32 $0x1  }
0xc: {  	[tilespmem:s4], [sflag:$0x1] =	stream.linear.gather [hbm4b:s0+s4], $0x680, $0x38;
	[tilespmem:$0x1E680] =	vst v63  }
0xd: {  	_ =	swait.ge [sflag:s29], $0x680  }
0xe: {  	s31 =	simm.s32 $0x800;
	s2 =	simm.s32 $0x20000;
	[sflag:s29] =	ssyncset.done $0x0  }
0xf: {  	s3 =	simm.s32 $0x680;
	s15 =	simm.s32 $0x0;
	[sflag:s29] =	ssyncadd.s32 $0xFFFFF980  }
0x10: {  	s1 =	simm.s32 $0x0;
	s16 =	simm.s32 $0x0;
	_ =	strace $0x80000048  }
0x11: {  	s17 =	simm.s32 $0x0;
	s18 =	simm.s32 $0x0;
	s30 =	rddreg [dreg:$0x6]  }
0x12: {  	[tilespmem:s3], [sflag:$0x1] =	stream.strided.gather [hbm4b:s30+s31], $0x2800, s2, s31, $0x200038;
	[tilespmem:$0x1E680] =	vst v63  }
0x13: {  	s19 =	simm.s32 $0x1;
	s20 =	simm.s32 $0x0;
	_ =	strace $0x90000048  }
.LBB2_2:
0x14: {  	s30 =	smov.u32 s15;
	s15 =	sadd.s32 $0x1, s15  }
0x15: {  	s0 =	simm.s32 $0x1;
	p0 =	seq.s32 s15, $0x2  }
0x16: {  	s0 =	simm.s32 @!p0 $0x0  }
0x17: {  	s21 =	sadd.s32 s0, s1  }
0x18: {  	p1 =	seq.s32 s21, $0x5  }
0x19: {  	s15 =	simm.s32 @p0 $0x0;
	s21 =	simm.s32 @p1 $0x0  }
0x1a: {  	p5 =	sne.s32 s30, s15;
	p4 =	sne.s32 s1, s21  }
0x1b: {  	p6 =	sne.s32 s20, $0x9;
	p1 =	por p5, p4  }
0x1c: {  	[dreg:$0x9] =	wrdreg s1;
	p0 =	por !p6, !p1  }
0x1d: {  	s25 =	rddreg [dreg:$0x5];
	s11 =	sand.u32 $0x1, s18;
	p0 =	por !p0, !p0  }
0x1e: {  	s0 =	smul.u32 @p0 $0xA0000, s21;
	s1 =	sand.u32 @p0 $0x1, s19;
	s2 =	sadd.s32 @p0 s25, s15  }
0x1f: {  	_ =	strace @p0 $0x80000049;
	s3 =	smul.u32 @p0 $0xA000, s1;
	s2 =	sshll.u32 @p0 s2, $0xB  }
0x20: {  	s5 =	simm.s32 @p0 $0x20000;
	s1 =	sadd.s32 @p0 $0x1, s1;
	s0 =	sadd.s32 @p0 s2, s0  }
0x21: {  	s2 =	sshrl.u32 @p0 s3, $0x2;
	s0 =	sshrl.u32 @p0 s0, $0x3;
	s3 =	rddreg [dreg:$0x1]  }
0x22: {  	s2 =	sor.u32 @p0 $0x680, s2;
	s0 =	sadd.s32 @p0 s3, s0;
	s3 =	simm.s32 @p0 $0x800  }
0x23: {  	[tilespmem:s2], [sflag:s1] =	stream.strided.gather @p0 [hbm4b:s0+s3], $0x2800, s5, s3, $0x200038;
	[tilespmem:$0x1E680] =	vst v63  }
0x24: {  	p2 =	seq.s32 s11, $0x1;
	s1 =	simm.s32 $0x2E80;
	_ =	strace @p0 $0x90000049  }
0x25: {  	s0 =	sadd.s32 $0x1, s11;
	s1 =	simm.s32 @!p2 $0x680;
	_ =	strace $0x8000004A  }
0x26: {  	v5 =	vmov s1;
	_ =	swait.ge [sflag:s0], $0x2800  }
0x27: {  	[sflag:s0] =	ssyncset.done $0x0  }
0x28: {  	s23 =	simm.s32 $0x0;
	s24 =	simm.s32 $0x0;
	[sflag:s0] =	ssyncadd.s32 $0xFFFFD800  }
0x29: {  	s2 =	sand.u32 $0x3800, s24;
	s1 =	sand.u32 $0x380, s23;
	_ =	strace $0x9000004A  }
0x2a: {  	s0 =	sor.u32 s2, s1;
	_ =	strace $0x8000004B  }
0x2b: {  	s31 =	sor.u32 $0x470, s0;
	v20 =	vld.idx.msk [tilespmem:v5+s0+$0x0 ss:$0x1], $0xffff  }
0x2c: {  	s29 =	sor.u32 $0x10, s0;
	v6 =	vld.idx.msk [tilespmem:v5+s31+$0x0 ss:$0x1], $0xffff  }
0x2d: {  	s26 =	sor.u32 $0x20, s0;
	v7 =	vld.idx.msk [tilespmem:v5+s29+$0x0 ss:$0x1], $0xffff  }
0x2e: {  	s22 =	sor.u32 $0x30, s0;
	v8 =	vld.idx.msk [tilespmem:v5+s26+$0x0 ss:$0x1], $0xffff  }
0x2f: {  	s14 =	sor.u32 $0x40, s0;
	v9 =	vld.idx.msk [tilespmem:v5+s22+$0x0 ss:$0x1], $0xffff  }
0x30: {  	s13 =	sor.u32 $0x50, s0;
	v10 =	vld.idx.msk [tilespmem:v5+s14+$0x0 ss:$0x1], $0xffff  }
0x31: {  	s11 =	sor.u32 $0x60, s0;
	v11 =	vld.idx.msk [tilespmem:v5+s13+$0x0 ss:$0x1], $0xffff  }
0x32: {  	s7 =	sor.u32 $0x70, s0;
	v12 =	vld.idx.msk [tilespmem:v5+s11+$0x0 ss:$0x1], $0xffff;
	v22 =	vmul.u32 $0x50, v6  }
0x33: {  	s8 =	sor.u32 $0x400, s0;
	v13 =	vld.idx.msk [tilespmem:v5+s7+$0x0 ss:$0x1], $0xffff  }
0x34: {  	s5 =	sor.u32 $0x410, s0;
	v15 =	vld.idx.msk [tilespmem:v5+s8+$0x0 ss:$0x1], $0xffff;
	v6 =	vor.u32 v45, v22  }
0x35: {  	s12 =	sand.u32 $0x1, s17;
	s6 =	sor.u32 $0x420, s0;
	v16 =	vld.idx.msk [tilespmem:v5+s5+$0x0 ss:$0x1], $0xffff;
	v7 =	vmul.u32 $0x50, v7  }
0x36: {  	s10 =	smul.u32 $0x32000, s12;
	s9 =	sor.u32 $0x430, s0;
	v17 =	vld.idx.msk [tilespmem:v5+s6+$0x0 ss:$0x1], $0xffff;
	[dreg:$0xb] =	wrdreg s12;
	v8 =	vmul.u32 $0x50, v8  }
0x37: {  	s3 =	sor.u32 $0x440, s0;
	v19 =	vld.idx.msk [tilespmem:v5+s9+$0x0 ss:$0x1], $0xffff;
	v9 =	vmul.u32 $0x50, v9;
	v18 =	vor.u32 v45, v7  }
0x38: {  	s12 =	sshrl.u32 s10, $0x2;
	v23 =	vld.idx.msk [tilespmem:v5+s3+$0x0 ss:$0x1], $0xffff;
	v10 =	vmul.u32 $0x50, v10;
	v21 =	vor.u32 v45, v8  }
0x39: {  	s10 =	sor.u32 $0x450, s0;
	v11 =	vmul.u32 $0x50, v11;
	v24 =	vor.u32 v45, v9;
	v25 =	vld.idx.msk [tilespmem:v6+s4+$0x0], $0xffff;
	[dreg:$0xa] =	wrdreg s12  }
0x3a: {  	s28 =	sadd.s32 $0x5680, s12;
	v12 =	vmul.u32 $0x50, v12;
	v26 =	vor.u32 v45, v10;
	s12 =	sor.u32 $0x460, s0;
	v27 =	vld.idx.msk [tilespmem:v5+s10+$0x0 ss:$0x1], $0xffff  }
0x3b: {  	v14 =	vmul.u32 $0x50, v13;
	v28 =	vor.u32 v45, v11;
	v29 =	vld.idx.msk [tilespmem:v5+s12+$0x0 ss:$0x1], $0xffff  }
0x3c: {  	v15 =	vmul.u32 $0x50, v15;
	v13 =	vor.u32 v45, v12;
	v6 =	vmov s28;
	v18 =	vld.idx.msk [tilespmem:v18+s4+$0x0], $0xffff  }
0x3d: {  	v16 =	vmul.u32 $0x50, v16;
	v31 =	vor.u32 v45, v14;
	v21 =	vld.idx.msk [tilespmem:v21+s4+$0x0], $0xffff  }
0x3e: {  	v17 =	vmul.u32 $0x50, v17;
	v32 =	vor.u32 v45, v15;
	v24 =	vld.idx.msk [tilespmem:v24+s4+$0x0], $0xffff  }
0x3f: {  	v43 =	vor.u32 v45, v16;
	v26 =	vld.idx.msk [tilespmem:v26+s4+$0x0], $0xffff  }
0x40: {  	v33 =	vor.u32 v45, v17;
	v28 =	vld.idx.msk [tilespmem:v28+s4+$0x0], $0xffff  }
0x41: {  	v30 =	vadd.s32 v47, v22;
	v34 =	vld.idx.msk [tilespmem:v13+s4+$0x0], $0xffff;
	[tilespmem:v6+s31+$0x0 ss:$0x1] =	vst.idx.msk $0xffff, v25  }
0x42: {  	v54 =	vadd.s32 v47, v7;
	v46 =	vld.idx.msk [tilespmem:v31+s4+$0x0], $0xffff;
	[tilespmem:v6+s29+$0x0 ss:$0x1] =	vst.idx.msk $0xffff, v18  }
0x43: {  	v19 =	vmul.u32 $0x50, v19;
	v57 =	vadd.s32 v47, v9;
	v49 =	vld.idx.msk [tilespmem:v32+s4+$0x0], $0xffff;
	[tilespmem:v6+s26+$0x0 ss:$0x1] =	vst.idx.msk $0xffff, v21  }
0x44: {  	v20 =	vmul.u32 $0x50, v20;
	v56 =	vadd.s32 v47, v8;
	v25 =	vld.idx.msk [tilespmem:v43+s4+$0x0], $0xffff;
	[tilespmem:v6+s22+$0x0 ss:$0x1] =	vst.idx.msk $0xffff, v24  }
0x45: {  	v52 =	vld.idx.msk [tilespmem:v33+s4+$0x0], $0xffff;
	v21 =	vmul.u32 $0x50, v23;
	v23 =	vor.u32 v45, v19;
	[tilespmem:v6+s14+$0x0 ss:$0x1] =	vst.idx.msk $0xffff, v26  }
0x46: {  	v53 =	vor.u32 v45, v20;
	v30 =	vld.idx.msk [tilespmem:v30+s4+$0x0], $0xffff;
	[tilespmem:v6+s13+$0x0 ss:$0x1] =	vst.idx.msk $0xffff, v28  }
0x47: {  	v44 =	vadd.s32 v2, v22;
	v13 =	vmul.u32 $0x50, v27;
	[tilespmem:v6+s11+$0x0 ss:$0x1] =	vst.idx.msk $0xffff, v34;
	v27 =	vld.idx.msk [tilespmem:v54+s4+$0x0], $0xffff  }
0x48: {  	v63 =	vadd.s32 v47, v16;
	[tilespmem:v6+s7+$0x0 ss:$0x1] =	vst.idx.msk $0xffff, v46;
	v61 =	vld.idx.msk [tilespmem:v57+s4+$0x0], $0xffff  }
0x49: {  	s2 =	sadd.s32 s2, s28;
	v18 =	vmul.u32 $0x50, v29;
	v48 =	vor.u32 v45, v21;
	[tilespmem:v6+s5+$0x0 ss:$0x1] =	vst.idx.msk $0xffff, v25;
	v25 =	vld.idx.msk [tilespmem:v56+s4+$0x0], $0xffff  }
0x4a: {  	s29 =	sadd.s32 s1, s2;
	[tilespmem:v6+s8+$0x0 ss:$0x1] =	vst.idx.msk $0xffff, v49;
	v50 =	vor.u32 v45, v13;
	v23 =	vld.idx.msk [tilespmem:v23+s4+$0x0], $0xffff  }
0x4b: {  	v51 =	vor.u32 v45, v18;
	[tilespmem:s29+$0x2C70] =	vst v30;
	v30 =	vld.idx.msk [tilespmem:v53+s4+$0x0], $0xffff  }
0x4c: {  	v62 =	vadd.s32 v47, v15;
	[tilespmem:v6+s6+$0x0 ss:$0x1] =	vst.idx.msk $0xffff, v52;
	v24 =	vld.idx.msk [tilespmem:v44+s4+$0x0], $0xffff  }
0x4d: {  	v58 =	vadd.s32 v47, v11;
	[tilespmem:s29+$0x2810] =	vst v27;
	v27 =	vld.idx.msk [tilespmem:v63+s4+$0x0], $0xffff  }
0x4e: {  	v34 =	vadd.s32 v47, v19;
	[tilespmem:s29+$0x2830] =	vst v61;
	v26 =	vld.idx.msk [tilespmem:v48+s4+$0x0], $0xffff  }
0x4f: {  	v55 =	vadd.s32 v3, v22;
	v28 =	vld.idx.msk [tilespmem:v50+s4+$0x0], $0xffff;
	[tilespmem:s29+$0x2820] =	vst v25  }
0x50: {  	v59 =	vadd.s32 v47, v12;
	v31 =	vld.idx.msk [tilespmem:v51+s4+$0x0], $0xffff;
	[tilespmem:v6+s9+$0x0 ss:$0x1] =	vst.idx.msk $0xffff, v23  }
0x51: {  	v60 =	vadd.s32 v47, v14;
	[tilespmem:v6+s0+$0x0 ss:$0x1] =	vst.idx.msk $0xffff, v30;
	v30 =	vld.idx.msk [tilespmem:v62+s4+$0x0], $0xffff  }
0x52: {  	v35 =	vadd.s32 v47, v21;
	[tilespmem:s29+$0x5470] =	vst v24;
	v24 =	vld.idx.msk [tilespmem:v58+s4+$0x0], $0xffff  }
0x53: {  	v23 =	vadd.s32 v47, v10;
	v25 =	vld.idx.msk [tilespmem:v34+s4+$0x0], $0xffff;
	[tilespmem:s29+$0x2C10] =	vst v27  }
0x54: {  	v39 =	vadd.s32 v2, v9;
	[tilespmem:v6+s3+$0x0 ss:$0x1] =	vst.idx.msk $0xffff, v26;
	v29 =	vld.idx.msk [tilespmem:v55+s4+$0x0], $0xffff  }
0x55: {  	v36 =	vadd.s32 v47, v18;
	[tilespmem:v6+s10+$0x0 ss:$0x1] =	vst.idx.msk $0xffff, v28;
	v26 =	vld.idx.msk [tilespmem:v59+s4+$0x0], $0xffff  }
0x56: {  	v33 =	vadd.s32 v47, v17;
	[tilespmem:v6+s12+$0x0 ss:$0x1] =	vst.idx.msk $0xffff, v31;
	v28 =	vld.idx.msk [tilespmem:v60+s4+$0x0], $0xffff  }
0x57: {  	v37 =	vadd.s32 v47, v20;
	v31 =	vld.idx.msk [tilespmem:v35+s4+$0x0], $0xffff;
	[tilespmem:s29+$0x2C00] =	vst v30  }
0x58: {  	v38 =	vadd.s32 v2, v7;
	v23 =	vld.idx.msk [tilespmem:v23+s4+$0x0], $0xffff;
	[tilespmem:s29+$0x2850] =	vst v24  }
0x59: {  	v22 =	vadd.s32 v4, v22;
	v30 =	vld.idx.msk [tilespmem:v39+s4+$0x0], $0xffff;
	[tilespmem:s29+$0x2C30] =	vst v25  }
0x5a: {  	v42 =	vadd.s32 v2, v12;
	v24 =	vld.idx.msk [tilespmem:v36+s4+$0x0], $0xffff;
	[tilespmem:s29+$0x7C70] =	vst v29  }
0x5b: {  	v43 =	vadd.s32 v2, v14;
	[tilespmem:s29+$0x2860] =	vst v26;
	v29 =	vld.idx.msk [tilespmem:v33+s4+$0x0], $0xffff  }
0x5c: {  	v40 =	vadd.s32 v2, v10;
	[tilespmem:s29+$0x2870] =	vst v28;
	v26 =	vld.idx.msk [tilespmem:v37+s4+$0x0], $0xffff  }
0x5d: {  	v44 =	vadd.s32 v2, v16;
	v28 =	vld.idx.msk [tilespmem:v38+s4+$0x0], $0xffff;
	[tilespmem:s29+$0x2C40] =	vst v31  }
0x5e: {  	v41 =	vadd.s32 v2, v11;
	v22 =	vld.idx.msk [tilespmem:v22+s4+$0x0], $0xffff;
	[tilespmem:s29+$0x2840] =	vst v23  }
0x5f: {  	v25 =	vld.idx.msk [tilespmem:v42+s4+$0x0], $0xffff;
	v23 =	vadd.s32 v47, v13;
	[tilespmem:s29+$0x5030] =	vst v30  }
0x60: {  	v48 =	vadd.s32 v2, v19;
	v31 =	vld.idx.msk [tilespmem:v43+s4+$0x0], $0xffff;
	[tilespmem:s29+$0x2C60] =	vst v24  }
0x61: {  	v46 =	vadd.s32 v2, v17;
	v27 =	vld.idx.msk [tilespmem:v40+s4+$0x0], $0xffff;
	[tilespmem:s29+$0x2C20] =	vst v29  }
0x62: {  	v52 =	vadd.s32 v3, v7;
	v24 =	vld.idx.msk [tilespmem:v44+s4+$0x0], $0xffff;
	[tilespmem:s29+$0x2800] =	vst v26  }
0x63: {  	v29 =	vld.idx.msk [tilespmem:v41+s4+$0x0], $0xffff;
	[tilespmem:s29+$0xA470] =	vst v22;
	v22 =	vadd.s32 v2, v8  }
0x64: {  	v50 =	vadd.s32 v2, v18;
	[tilespmem:s29+$0x5010] =	vst v28;
	v23 =	vld.idx.msk [tilespmem:v23+s4+$0x0], $0xffff  }
0x65: {  	v51 =	vadd.s32 v2, v20;
	v28 =	vld.idx.msk [tilespmem:v48+s4+$0x0], $0xffff;
	[tilespmem:s29+$0x5060] =	vst v25  }
0x66: {  	v54 =	vadd.s32 v3, v10;
	v26 =	vld.idx.msk [tilespmem:v46+s4+$0x0], $0xffff;
	[tilespmem:s29+$0x5070] =	vst v31  }
0x67: {  	v56 =	vadd.s32 v3, v12;
	v25 =	vld.idx.msk [tilespmem:v52+s4+$0x0], $0xffff;
	[tilespmem:s29+$0x5040] =	vst v27  }
0x68: {  	v55 =	vadd.s32 v3, v11;
	[tilespmem:s29+$0x5410] =	vst v24;
	v22 =	vld.idx.msk [tilespmem:v22+s4+$0x0], $0xffff  }
0x69: {  	v27 =	vld.idx.msk [tilespmem:v50+s4+$0x0], $0xffff;
	[tilespmem:s29+$0x2C50] =	vst v23;
	v23 =	vadd.s32 v2, v15  }
0x6a: {  	v60 =	vadd.s32 v3, v19;
	[tilespmem:s29+$0x5050] =	vst v29;
	v29 =	vld.idx.msk [tilespmem:v51+s4+$0x0], $0xffff  }
0x6b: {  	v7 =	vadd.s32 v4, v7;
	[tilespmem:s29+$0x5430] =	vst v28;
	v24 =	vld.idx.msk [tilespmem:v54+s4+$0x0], $0xffff  }
0x6c: {  	v49 =	vadd.s32 v2, v13;
	v28 =	vld.idx.msk [tilespmem:v56+s4+$0x0], $0xffff;
	[tilespmem:s29+$0x5420] =	vst v26  }
0x6d: {  	v26 =	vld.idx.msk [tilespmem:v55+s4+$0x0], $0xffff;
	[tilespmem:s29+$0x5020] =	vst v22;
	v22 =	vadd.s32 v2, v21  }
0x6e: {  	v58 =	vadd.s32 v3, v16;
	[tilespmem:s29+$0x7810] =	vst v25;
	v23 =	vld.idx.msk [tilespmem:v23+s4+$0x0], $0xffff  }
0x6f: {  	v59 =	vadd.s32 v3, v17;
	v25 =	vld.idx.msk [tilespmem:v60+s4+$0x0], $0xffff;
	[tilespmem:s29+$0x5460] =	vst v27  }
0x70: {  	v62 =	vadd.s32 v3, v18;
	v7 =	vld.idx.msk [tilespmem:v7+s4+$0x0], $0xffff;
	[tilespmem:s29+$0x5000] =	vst v29  }
0x71: {  	v63 =	vadd.s32 v3, v20;
	v30 =	vld.idx.msk [tilespmem:v49+s4+$0x0], $0xffff;
	[tilespmem:s29+$0x7840] =	vst v24  }
0x72: {  	v53 =	vadd.s32 v3, v8;
	[tilespmem:s29+$0x7860] =	vst v28;
	v22 =	vld.idx.msk [tilespmem:v22+s4+$0x0], $0xffff  }
0x73: {  	v27 =	vld.idx.msk [tilespmem:v58+s4+$0x0], $0xffff;
	[tilespmem:s29+$0x5400] =	vst v23;
	v23 =	vadd.s32 v3, v9  }
0x74: {  	v10 =	vadd.s32 v4, v10;
	v29 =	vld.idx.msk [tilespmem:v59+s4+$0x0], $0xffff;
	[tilespmem:s29+$0x7850] =	vst v26  }
0x75: {  	v12 =	vadd.s32 v4, v12;
	v24 =	vld.idx.msk [tilespmem:v62+s4+$0x0], $0xffff;
	[tilespmem:s29+$0x7C30] =	vst v25  }
0x76: {  	v11 =	vadd.s32 v4, v11;
	v26 =	vld.idx.msk [tilespmem:v63+s4+$0x0], $0xffff;
	[tilespmem:s29+$0xA010] =	vst v7  }
0x77: {  	v31 =	vld.idx.msk [tilespmem:v53+s4+$0x0], $0xffff;
	[tilespmem:s29+$0x5440] =	vst v22;
	v22 =	vadd.s32 v3, v14  }
0x78: {  	v8 =	vadd.s32 v4, v8;
	[tilespmem:s29+$0x5450] =	vst v30;
	v23 =	vld.idx.msk [tilespmem:v23+s4+$0x0], $0xffff  }
0x79: {  	v57 =	vadd.s32 v3, v15;
	v10 =	vld.idx.msk [tilespmem:v10+s4+$0x0], $0xffff;
	[tilespmem:s29+$0x7C10] =	vst v27  }
0x7a: {  	v16 =	vadd.s32 v4, v16;
	v12 =	vld.idx.msk [tilespmem:v12+s4+$0x0], $0xffff;
	[tilespmem:s29+$0x7C20] =	vst v29  }
0x7b: {  	v11 =	vld.idx.msk [tilespmem:v11+s4+$0x0], $0xffff;
	[tilespmem:s29+$0x7C60] =	vst v24;
	v9 =	vadd.s32 v4, v9  }
0x7c: {  	v61 =	vadd.s32 v3, v21;
	[tilespmem:s29+$0x7820] =	vst v31;
	v22 =	vld.idx.msk [tilespmem:v22+s4+$0x0], $0xffff  }
0x7d: {  	v8 =	vld.idx.msk [tilespmem:v8+s4+$0x0], $0xffff;
	[tilespmem:s29+$0x7830] =	vst v23;
	v23 =	vadd.s32 v3, v13  }
0x7e: {  	v7 =	vadd.s32 v4, v19;
	[tilespmem:s29+$0x7800] =	vst v26;
	v30 =	vld.idx.msk [tilespmem:v57+s4+$0x0], $0xffff  }
0x7f: {  	v15 =	vadd.s32 v4, v15;
	v16 =	vld.idx.msk [tilespmem:v16+s4+$0x0], $0xffff;
	[tilespmem:s29+$0xA040] =	vst v10  }
0x80: {  	[tilespmem:s29+$0xA060] =	vst v12;
	v14 =	vadd.s32 v4, v14;
	v9 =	vld.idx.msk [tilespmem:v9+s4+$0x0], $0xffff  }
0x81: {  	v17 =	vadd.s32 v4, v17;
	[tilespmem:s29+$0x7870] =	vst v22;
	v22 =	vld.idx.msk [tilespmem:v61+s4+$0x0], $0xffff  }
0x82: {  	[tilespmem:s29+$0xA020] =	vst v8;
	v8 =	vadd.s32 v4, v21;
	v23 =	vld.idx.msk [tilespmem:v23+s4+$0x0], $0xffff  }
0x83: {  	v7 =	vld.idx.msk [tilespmem:v7+s4+$0x0], $0xffff;
	[tilespmem:s29+$0x7C00] =	vst v30  }
0x84: {  	[tilespmem:s29+$0xA050] =	vst v11;
	v19 =	vld.idx.msk [tilespmem:v15+s4+$0x0], $0xffff  }
0x85: {  	v21 =	vld.idx.msk [tilespmem:v14+s4+$0x0], $0xffff;
	[tilespmem:s29+$0xA030] =	vst v9  }
0x86: {  	v10 =	vadd.s32 v4, v18;
	v14 =	vld.idx.msk [tilespmem:v17+s4+$0x0], $0xffff;
	[tilespmem:s29+$0x7C40] =	vst v22  }
0x87: {  	s25 =	sadd.s32 s25, s30;
	v11 =	vadd.s32 v4, v13;
	v9 =	vadd.s32 v4, v20;
	v8 =	vld.idx.msk [tilespmem:v8+s4+$0x0], $0xffff;
	[tilespmem:s29+$0x7C50] =	vst v23  }
.LBB2_3:
0x88: {  	_ =	sdelay $0x3  }
0x89: {  	s24 =	sadd.s32 $0x100, s24;
	v11 =	vld.idx.msk [tilespmem:v11+s4+$0x0], $0xffff;
	s23 =	sadd.s32 $0x80, s23  }
0x8a: {  	v10 =	vld.idx.msk [tilespmem:v10+s4+$0x0], $0xffff;
	s8 =	sand.u32 $0x380, s23;
	s13 =	sand.u32 $0x3800, s24  }
0x8b: {  	v9 =	vld.idx.msk [tilespmem:v9+s4+$0x0], $0xffff;
	s31 =	sor.u32 s13, s8  }
0x8c: {  	v12 =	vld.idx.msk [tilespmem:v5+s31+$0x0 ss:$0x1], $0xffff;
	s22 =	sor.u32 $0x470, s31  }
0x8d: {  	s30 =	sor.u32 $0x10, s31;
	v13 =	vld.idx.msk [tilespmem:v5+s22+$0x0 ss:$0x1], $0xffff  }
0x8e: {  	s26 =	sor.u32 $0x20, s31;
	[tilespmem:s29+$0xA430] =	vst v7;
	v7 =	vld.idx.msk [tilespmem:v5+s30+$0x0 ss:$0x1], $0xffff  }
0x8f: {  	s6 =	sor.u32 $0x30, s31;
	[tilespmem:s29+$0xA420] =	vst v14;
	v14 =	vld.idx.msk [tilespmem:v5+s26+$0x0 ss:$0x1], $0xffff  }
0x90: {  	s2 =	sor.u32 $0x40, s31;
	[tilespmem:s29+$0xA410] =	vst v16;
	v16 =	vld.idx.msk [tilespmem:v5+s6+$0x0 ss:$0x1], $0xffff  }
0x91: {  	s14 =	sor.u32 $0x50, s31;
	v17 =	vld.idx.msk [tilespmem:v5+s2+$0x0 ss:$0x1], $0xffff  }
0x92: {  	s1 =	sor.u32 $0x60, s31;
	[tilespmem:s29+$0xA070] =	vst v21;
	v18 =	vld.idx.msk [tilespmem:v5+s14+$0x0 ss:$0x1], $0xffff  }
0x93: {  	s12 =	sor.u32 $0x70, s31;
	[tilespmem:s29+$0xA400] =	vst v19;
	v19 =	vld.idx.msk [tilespmem:v5+s1+$0x0 ss:$0x1], $0xffff  }
0x94: {  	s7 =	sor.u32 $0x400, s31;
	v20 =	vld.idx.msk [tilespmem:v5+s12+$0x0 ss:$0x1], $0xffff  }
0x95: {  	s5 =	sor.u32 $0x410, s31;
	[tilespmem:s29+$0xA000] =	vst v9;
	v21 =	vld.idx.msk [tilespmem:v5+s7+$0x0 ss:$0x1], $0xffff;
	v9 =	vmul.u32 $0x50, v12  }
0x96: {  	s11 =	sor.u32 $0x420, s31;
	[tilespmem:s29+$0xA450] =	vst v11;
	v26 =	vld.idx.msk [tilespmem:v5+s5+$0x0 ss:$0x1], $0xffff;
	v15 =	vmul.u32 $0x50, v13  }
0x97: {  	s3 =	sor.u32 $0x450, s31;
	[tilespmem:s29+$0xA460] =	vst v10;
	v28 =	vld.idx.msk [tilespmem:v5+s11+$0x0 ss:$0x1], $0xffff;
	v10 =	vmul.u32 $0x50, v7;
	v23 =	vor.u32 v45, v9  }
0x98: {  	s10 =	sor.u32 $0x430, s31;
	v38 =	vld.idx.msk [tilespmem:v5+s3+$0x0 ss:$0x1], $0xffff;
	v11 =	vmul.u32 $0x50, v14;
	v22 =	vor.u32 v45, v15  }
0x99: {  	s9 =	sor.u32 $0x440, s31;
	[tilespmem:s29+$0xA440] =	vst v8;
	v30 =	vld.idx.msk [tilespmem:v5+s10+$0x0 ss:$0x1], $0xffff;
	v12 =	vmul.u32 $0x50, v16;
	v24 =	vor.u32 v45, v10  }
0x9a: {  	s0 =	sor.u32 $0x460, s31;
	v33 =	vld.idx.msk [tilespmem:v5+s9+$0x0 ss:$0x1], $0xffff;
	v13 =	vmul.u32 $0x50, v17;
	v27 =	vor.u32 v45, v11  }
0x9b: {  	v63 =	vld.idx.msk [tilespmem:v5+s0+$0x0 ss:$0x1], $0xffff;
	v14 =	vmul.u32 $0x50, v18;
	v31 =	vor.u32 v45, v12  }
0x9c: {  	v16 =	vmul.u32 $0x50, v19;
	v19 =	vmul.u32 $0x50, v26;
	v34 =	vor.u32 v45, v13;
	v23 =	vld.idx.msk [tilespmem:v23+s4+$0x0], $0xffff  }
0x9d: {  	v17 =	vmul.u32 $0x50, v20;
	v36 =	vor.u32 v45, v14;
	v55 =	vmul.u32 $0x50, v38;
	v20 =	vld.idx.msk [tilespmem:v22+s4+$0x0], $0xffff  }
0x9e: {  	v18 =	vmul.u32 $0x50, v21;
	v21 =	vmul.u32 $0x50, v28;
	v28 =	vor.u32 v45, v19;
	v24 =	vld.idx.msk [tilespmem:v24+s4+$0x0], $0xffff  }
0x9f: {  	v0 =	vadd.s32 v47, v9;
	v26 =	vor.u32 v45, v55;
	v27 =	vld.idx.msk [tilespmem:v27+s4+$0x0], $0xffff  }
0xa0: {  	[tilespmem:$0x1FFC0] =	vst v0;
	v0 =	vadd.s32 v2, v9;
	v37 =	vor.u32 v45, v16;
	v31 =	vld.idx.msk [tilespmem:v31+s4+$0x0], $0xffff  }
0xa1: {  	[tilespmem:$0x1FFE0] =	vst v0;
	v39 =	vor.u32 v45, v17;
	v0 =	vadd.s32 v47, v18;
	v34 =	vld.idx.msk [tilespmem:v34+s4+$0x0], $0xffff  }
0xa2: {  	v42 =	vor.u32 v45, v18;
	[tilespmem:$0x1FFB0] =	vst v0;
	v0 =	vadd.s32 v2, v10;
	v36 =	vld.idx.msk [tilespmem:v36+s4+$0x0], $0xffff  }
0xa3: {  	v43 =	vor.u32 v45, v21;
	[tilespmem:$0x1FFD0] =	vst v0;
	v0 =	vadd.s32 v3, v10;
	v28 =	vld.idx.msk [tilespmem:v28+s4+$0x0], $0xffff  }
0xa4: {  	v30 =	vmul.u32 $0x50, v30;
	v25 =	vadd.s32 v47, v10;
	v40 =	vadd.s32 v47, v15;
	[tilespmem:$0x1FFF0] =	vst v0;
	v26 =	vld.idx.msk [tilespmem:v26+s4+$0x0], $0xffff  }
0xa5: {  	v33 =	vmul.u32 $0x50, v33;
	v29 =	vadd.s32 v47, v11;
	v57 =	vmul.u32 $0x50, v63;
	[tilespmem:v6+s30+$0x0 ss:$0x1] =	vst.idx.msk $0xffff, v24;
	v24 =	vld.idx.msk [tilespmem:v37+s4+$0x0], $0xffff  }
0xa6: {  	v35 =	vadd.s32 v47, v13;
	v44 =	vor.u32 v45, v30;
	[tilespmem:v6+s26+$0x0 ss:$0x1] =	vst.idx.msk $0xffff, v27;
	v27 =	vld.idx.msk [tilespmem:v39+s4+$0x0], $0xffff  }
0xa7: {  	v54 =	vor.u32 v45, v33;
	[tilespmem:v6+s22+$0x0 ss:$0x1] =	vst.idx.msk $0xffff, v20;
	v39 =	vor.u32 v45, v57;
	v45 =	vld.idx.msk [tilespmem:v42+s4+$0x0], $0xffff  }
0xa8: {  	v51 =	vadd.s32 v47, v19;
	[tilespmem:v6+s2+$0x0 ss:$0x1] =	vst.idx.msk $0xffff, v34;
	v34 =	vld.idx.msk [tilespmem:v43+s4+$0x0], $0xffff  }
0xa9: {  	[tilespmem:v6+s31+$0x0 ss:$0x1] =	vst.idx.msk $0xffff, v23;
	v49 =	vld.idx.msk [tilespmem:v40+s4+$0x0], $0xffff  }
0xaa: {  	[tilespmem:v6+s6+$0x0 ss:$0x1] =	vst.idx.msk $0xffff, v31;
	v25 =	vld.idx.msk [tilespmem:v25+s4+$0x0], $0xffff  }
0xab: {  	[tilespmem:v6+s14+$0x0 ss:$0x1] =	vst.idx.msk $0xffff, v36;
	v0 =	vld.idx.msk [tilespmem:v29+s4+$0x0], $0xffff  }
0xac: {  	v46 =	vadd.s32 v47, v16;
	[tilespmem:v6+s5+$0x0 ss:$0x1] =	vst.idx.msk $0xffff, v28;
	v1 =	vld.idx.msk [tilespmem:v35+s4+$0x0], $0xffff  }
0xad: {  	v50 =	vadd.s32 v47, v17;
	[tilespmem:v6+s3+$0x0 ss:$0x1] =	vst.idx.msk $0xffff, v26;
	v51 =	vld.idx.msk [tilespmem:v51+s4+$0x0], $0xffff  }
0xae: {  	v37 =	vadd.s32 v2, v15;
	[tilespmem:v6+s1+$0x0 ss:$0x1] =	vst.idx.msk $0xffff, v24;
	v24 =	vld.idx.msk [tilespmem:v44+s4+$0x0], $0xffff  }
0xaf: {  	s13 =	sadd.s32 s13, s28;
	v59 =	vadd.s32 v2, v11;
	v58 =	vadd.s32 v47, v55;
	[tilespmem:v6+s12+$0x0 ss:$0x1] =	vst.idx.msk $0xffff, v27;
	v27 =	vld.idx.msk [tilespmem:v54+s4+$0x0], $0xffff  }
0xb0: {  	s29 =	sadd.s32 s8, s13;
	v23 =	vadd.s32 v4, v11;
	[tilespmem:v6+s7+$0x0 ss:$0x1] =	vst.idx.msk $0xffff, v45;
	v44 =	vadd.s32 v3, v11;
	v11 =	vld [tilespmem:$0x1FFB0]  }
0xb1: {  	v41 =	vadd.s32 v47, v14;
	[tilespmem:s29+$0x2810] =	vst v25;
	v25 =	vadd.s32 v4, v10;
	v10 =	vld.idx.msk [tilespmem:v46+s4+$0x0], $0xffff  }
0xb2: {  	v32 =	vadd.s32 v47, v12;
	[tilespmem:s29+$0x2C70] =	vst v49;
	v46 =	vld.idx.msk [tilespmem:v50+s4+$0x0], $0xffff  }
0xb3: {  	v8 =	vadd.s32 v2, v17;
	[tilespmem:v6+s11+$0x0 ss:$0x1] =	vst.idx.msk $0xffff, v34;
	v36 =	vld.idx.msk [tilespmem:v37+s4+$0x0], $0xffff  }
0xb4: {  	v61 =	vadd.s32 v2, v12;
	v58 =	vld.idx.msk [tilespmem:v58+s4+$0x0], $0xffff;
	[tilespmem:s29+$0x2820] =	vst v0;
	v37 =	vadd.s32 v3, v15  }
0xb5: {  	v62 =	vadd.s32 v2, v13;
	v63 =	vadd.s32 v2, v14;
	v31 =	vld.idx.msk [tilespmem:v39+s4+$0x0], $0xffff;
	[tilespmem:s29+$0x2840] =	vst v1  }
0xb6: {  	v52 =	vadd.s32 v47, v21;
	v53 =	vadd.s32 v47, v30;
	v45 =	vld.idx.msk [tilespmem:v41+s4+$0x0], $0xffff;
	[tilespmem:v6+s9+$0x0 ss:$0x1] =	vst.idx.msk $0xffff, v27  }
0xb7: {  	v56 =	vadd.s32 v47, v33;
	v48 =	vadd.s32 v2, v18;
	v27 =	vld.idx.msk [tilespmem:v32+s4+$0x0], $0xffff;
	[tilespmem:s29+$0x2870] =	vst v46  }
0xb8: {  	v38 =	vadd.s32 v2, v21;
	v22 =	vadd.s32 v2, v55;
	[tilespmem:s29+$0x5470] =	vst v36;
	v8 =	vld.idx.msk [tilespmem:v8+s4+$0x0], $0xffff  }
0xb9: {  	v20 =	vadd.s32 v2, v19;
	v40 =	vadd.s32 v2, v16;
	[tilespmem:v6+s10+$0x0 ss:$0x1] =	vst.idx.msk $0xffff, v24;
	v24 =	vld.idx.msk [tilespmem:v37+s4+$0x0], $0xffff  }
0xba: {  	v28 =	vadd.s32 v3, v17;
	v29 =	vadd.s32 v3, v19;
	v62 =	vld.idx.msk [tilespmem:v62+s4+$0x0], $0xffff;
	[tilespmem:s29+$0x2C50] =	vst v58  }
0xbb: {  	v39 =	vadd.s32 v3, v14;
	v0 =	vadd.s32 v4, v14;
	[tilespmem:s29+$0x2850] =	vst v45;
	v14 =	vld.idx.msk [tilespmem:v11+s4+$0x0], $0xffff  }
0xbc: {  	v15 =	vadd.s32 v4, v15;
	v32 =	vadd.s32 v3, v21;
	v63 =	vld.idx.msk [tilespmem:v63+s4+$0x0], $0xffff;
	[tilespmem:s29+$0x2830] =	vst v27  }
0xbd: {  	v27 =	vadd.s32 v4, v17;
	v17 =	vadd.s32 v4, v21;
	v21 =	vld.idx.msk [tilespmem:v53+s4+$0x0], $0xffff;
	[tilespmem:s29+$0x5070] =	vst v8  }
0xbe: {  	v36 =	vadd.s32 v3, v16;
	v37 =	vadd.s32 v3, v18;
	v8 =	vld.idx.msk [tilespmem:v22+s4+$0x0], $0xffff;
	[tilespmem:s29+$0x7C70] =	vst v24  }
0xbf: {  	v24 =	vadd.s32 v4, v16;
	v16 =	vadd.s32 v4, v18;
	v18 =	vadd.s32 v4, v19;
	v19 =	vld.idx.msk [tilespmem:v52+s4+$0x0], $0xffff  }
0xc0: {  	v60 =	vadd.s32 v47, v57;
	[tilespmem:s29+$0x2C00] =	vst v14;
	v14 =	vld [tilespmem:$0x1FFC0]  }
0xc1: {  	v43 =	vadd.s32 v3, v13;
	v50 =	vadd.s32 v4, v13;
	[tilespmem:v6+s0+$0x0 ss:$0x1] =	vst.idx.msk $0xffff, v31;
	v13 =	vld.idx.msk [tilespmem:v15+s4+$0x0], $0xffff  }
0xc2: {  	v56 =	vld.idx.msk [tilespmem:v56+s4+$0x0], $0xffff;
	[tilespmem:s29+$0x5050] =	vst v63  }
0xc3: {  	v49 =	vadd.s32 v2, v30;
	[tilespmem:s29+$0x2C30] =	vst v21;
	v21 =	vld.idx.msk [tilespmem:v61+s4+$0x0], $0xffff  }
0xc4: {  	[tilespmem:s29+$0x5450] =	vst v8;
	v8 =	vld.idx.msk [tilespmem:v39+s4+$0x0], $0xffff  }
0xc5: {  	[tilespmem:s29+$0x2C20] =	vst v19;
	v19 =	vld.idx.msk [tilespmem:v59+s4+$0x0], $0xffff  }
0xc6: {  	[tilespmem:s29+$0xA470] =	vst v13;
	v13 =	vld.idx.msk [tilespmem:v60+s4+$0x0], $0xffff  }
0xc7: {  	[tilespmem:s29+$0x2C10] =	vst v51;
	v60 =	vld [tilespmem:$0x1FFD0]  }
0xc8: {  	v7 =	vadd.s32 v2, v57;
	[tilespmem:s29+$0x5030] =	vst v21;
	v21 =	vld.idx.msk [tilespmem:v49+s4+$0x0], $0xffff  }
0xc9: {  	v42 =	vadd.s32 v3, v12;
	[tilespmem:s29+$0x2860] =	vst v10;
	v14 =	vld.idx.msk [tilespmem:v14+s4+$0x0], $0xffff  }
0xca: {  	[tilespmem:s29+$0x5020] =	vst v19;
	v19 =	vld.idx.msk [tilespmem:v20+s4+$0x0], $0xffff  }
0xcb: {  	v26 =	vadd.s32 v3, v30;
	[tilespmem:s29+$0x5040] =	vst v62;
	v20 =	vld.idx.msk [tilespmem:v38+s4+$0x0], $0xffff  }
0xcc: {  	[tilespmem:s29+$0x2C60] =	vst v13;
	v13 =	vld.idx.msk [tilespmem:v40+s4+$0x0], $0xffff  }
0xcd: {  	[tilespmem:s29+$0x2C40] =	vst v56;
	v7 =	vld.idx.msk [tilespmem:v7+s4+$0x0], $0xffff  }
0xce: {  	[tilespmem:s29+$0x5430] =	vst v21;
	v21 =	vld.idx.msk [tilespmem:v42+s4+$0x0], $0xffff  }
0xcf: {  	v54 =	vadd.s32 v2, v33;
	[tilespmem:s29+$0x2800] =	vst v14;
	v14 =	vld.idx.msk [tilespmem:v48+s4+$0x0], $0xffff  }
0xd0: {  	[tilespmem:s29+$0x7850] =	vst v8;
	v8 =	vld.idx.msk [tilespmem:v26+s4+$0x0], $0xffff  }
0xd1: {  	v45 =	vld.idx.msk [tilespmem:v60+s4+$0x0], $0xffff;
	[tilespmem:s29+$0x5410] =	vst v19  }
0xd2: {  	v19 =	vld [tilespmem:$0x1FFF0];
	[tilespmem:s29+$0x5420] =	vst v20  }
0xd3: {  	v12 =	vadd.s32 v4, v12;
	v20 =	vld.idx.msk [tilespmem:v44+s4+$0x0], $0xffff;
	[tilespmem:s29+$0x5060] =	vst v13  }
0xd4: {  	v13 =	vld.idx.msk [tilespmem:v54+s4+$0x0], $0xffff;
	[tilespmem:s29+$0x5460] =	vst v7  }
0xd5: {  	v7 =	vld.idx.msk [tilespmem:v36+s4+$0x0], $0xffff;
	[tilespmem:s29+$0x7830] =	vst v21  }
0xd6: {  	v34 =	vadd.s32 v3, v33;
	[tilespmem:s29+$0x5400] =	vst v14;
	v14 =	vld [tilespmem:$0x1FFE0]  }
0xd7: {  	v0 =	vld.idx.msk [tilespmem:v0+s4+$0x0], $0xffff;
	[tilespmem:s29+$0x7C30] =	vst v8  }
0xd8: {  	v8 =	vld.idx.msk [tilespmem:v12+s4+$0x0], $0xffff;
	[tilespmem:s29+$0x5010] =	vst v45  }
0xd9: {  	[tilespmem:s29+$0x7820] =	vst v20;
	v20 =	vld.idx.msk [tilespmem:v29+s4+$0x0], $0xffff  }
0xda: {  	[tilespmem:s29+$0x5440] =	vst v13;
	v13 =	vld.idx.msk [tilespmem:v43+s4+$0x0], $0xffff  }
0xdb: {  	[tilespmem:s29+$0x7860] =	vst v7;
	v7 =	vld.idx.msk [tilespmem:v34+s4+$0x0], $0xffff  }
0xdc: {  	v19 =	vld.idx.msk [tilespmem:v19+s4+$0x0], $0xffff  }
0xdd: {  	v15 =	vadd.s32 v4, v33;
	[tilespmem:s29+$0xA050] =	vst v0;
	v12 =	vld.idx.msk [tilespmem:v24+s4+$0x0], $0xffff  }
0xde: {  	[tilespmem:s29+$0xA030] =	vst v8;
	v14 =	vld.idx.msk [tilespmem:v14+s4+$0x0], $0xffff  }
0xdf: {  	[tilespmem:s29+$0x7840] =	vst v13;
	v13 =	vld.idx.msk [tilespmem:v32+s4+$0x0], $0xffff  }
0xe0: {  	v31 =	vadd.s32 v3, v9;
	[tilespmem:s29+$0x7C40] =	vst v7;
	v7 =	vld.idx.msk [tilespmem:v50+s4+$0x0], $0xffff  }
0xe1: {  	v35 =	vadd.s32 v3, v57;
	[tilespmem:s29+$0x7810] =	vst v19;
	v19 =	vld.idx.msk [tilespmem:v37+s4+$0x0], $0xffff  }
0xe2: {  	[tilespmem:s29+$0x7C10] =	vst v20;
	v8 =	vld.idx.msk [tilespmem:v15+s4+$0x0], $0xffff  }
0xe3: {  	v41 =	vadd.s32 v3, v55;
	[tilespmem:s29+$0x5000] =	vst v14;
	v14 =	vld.idx.msk [tilespmem:v28+s4+$0x0], $0xffff  }
0xe4: {  	v1 =	vadd.s32 v4, v30;
	[tilespmem:s29+$0xA060] =	vst v12;
	v20 =	vld.idx.msk [tilespmem:v25+s4+$0x0], $0xffff  }
0xe5: {  	[tilespmem:s29+$0x7C20] =	vst v13;
	v21 =	vld.idx.msk [tilespmem:v31+s4+$0x0], $0xffff  }
0xe6: {  	[tilespmem:s29+$0x7C00] =	vst v19;
	v19 =	vld.idx.msk [tilespmem:v35+s4+$0x0], $0xffff  }
0xe7: {  	v13 =	vld.idx.msk [tilespmem:v23+s4+$0x0], $0xffff;
	[tilespmem:s29+$0xA040] =	vst v7  }
0xe8: {  	p2 =	slt.u32 s24, $0x2700;
	[tilespmem:s29+$0x7870] =	vst v14;
	v14 =	vld.idx.msk [tilespmem:v41+s4+$0x0], $0xffff  }
.Ltmp0:
0xe9: {  	v7 =	vld.idx.msk [tilespmem:v1+s4+$0x0], $0xffff;
	[tilespmem:s29+$0xA010] =	vst v20;
	(pc) =	sbr.rel @p2 .LBB2_3-.Ltmp0, $4  }
0xea: {  	[tilespmem:s29+$0x7800] =	vst v21;
	v21 =	vld.idx.msk [tilespmem:v27+s4+$0x0], $0xffff  }
0xeb: {  	[tilespmem:s29+$0x7C60] =	vst v19;
	v19 =	vld.idx.msk [tilespmem:v16+s4+$0x0], $0xffff  }
0xec: {  	v9 =	vadd.s32 v4, v9;
	[tilespmem:s29+$0xA020] =	vst v13;
	v16 =	vld.idx.msk [tilespmem:v18+s4+$0x0], $0xffff  }
0xed: {  	v10 =	vadd.s32 v4, v57;
	v11 =	vadd.s32 v4, v55;
	v45 =	vlaneseq.u32;
	[tilespmem:s29+$0x7C50] =	vst v14;
	v14 =	vld.idx.msk [tilespmem:v17+s4+$0x0], $0xffff  }
0xee: {  	_ =	sdelay $0x2  }
0xef: {  	[tilespmem:s29+$0xA430] =	vst v7  }
0xf0: {  	v0 =	vld.idx.msk [tilespmem:v11+s4+$0x0], $0xffff;
	[tilespmem:s29+$0xA440] =	vst v8  }
0xf1: {  	v1 =	vld.idx.msk [tilespmem:v10+s4+$0x0], $0xffff;
	[tilespmem:s29+$0xA070] =	vst v21  }
0xf2: {  	v5 =	vld.idx.msk [tilespmem:v9+s4+$0x0], $0xffff;
	[tilespmem:s29+$0xA400] =	vst v19  }
0xf3: {  	[tilespmem:s29+$0xA410] =	vst v16  }
0xf4: {  	[tilespmem:s29+$0xA420] =	vst v14  }
0xf5: {  	[tilespmem:s29+$0xA450] =	vst v0  }
0xf6: {  	p2 =	seq.s32 s20, $0x9;
	[tilespmem:s29+$0xA460] =	vst v1  }
0xf7: {  	p1 =	por p2, p1;
	s0 =	rddreg [dreg:$0x9];
	[tilespmem:s29+$0xA000] =	vst v5  }
0xf8: {  	s0 =	smul.u32 @p1 $0xA0000, s0;
	_ =	strace $0x9000004B  }
0xf9: {  	s1 =	sshll.u32 @p1 s25, $0xB;
	_ =	strace @p1 $0x8000004C  }
0xfa: {  	s0 =	sadd.s32 @p1 s0, s1;
	s1 =	rddreg [dreg:$0xb]  }
0xfb: {  	s2 =	rddreg [dreg:$0x2]  }
0xfc: {  	s3 =	simm.s32 @p1 $0x20000;
	s7 =	rddreg [dreg:$0xa];
	s0 =	sshrl.u32 @p1 s0, $0x3  }
0xfd: {  	s1 =	sadd.s32 @p1 $0x3, s1;
	s0 =	sadd.s32 @p1 s2, s0;
	s2 =	simm.s32 @p1 $0x800  }
0xfe: {  	[hbm4b:s0+s2] =	stream.strided.scatter @p1 [tilespmem:s28], [sflag:s1], $0x2800, s3, s2, $0x200038;
	[tilespmem:$0x1E680] =	vst v63  }
0xff: {  	s5 =	sadd.s32 @p1 $0x7E80, s7;
	s6 =	sadd.s32 @p1 $0x64000, s0  }
0x100: {  	[hbm4b:s6+s2] =	stream.strided.scatter @p1 [tilespmem:s5], [sflag:s1], $0x2800, s3, s2, $0x200038;
	[tilespmem:$0x1E680] =	vst v63  }
0x101: {  	s5 =	sadd.s32 @p1 $0xA680, s7;
	s6 =	sadd.s32 @p1 $0xC8000, s0  }
0x102: {  	[hbm4b:s6+s2] =	stream.strided.scatter @p1 [tilespmem:s5], [sflag:s1], $0x2800, s3, s2, $0x200038;
	[tilespmem:$0x1E680] =	vst v63  }
0x103: {  	s5 =	sadd.s32 @p1 $0xCE80, s7;
	s6 =	sadd.s32 @p1 $0x12C000, s0  }
0x104: {  	[hbm4b:s6+s2] =	stream.strided.scatter @p1 [tilespmem:s5], [sflag:s1], $0x2800, s3, s2, $0x200038;
	[tilespmem:$0x1E680] =	vst v63  }
0x105: {  	s0 =	sadd.s32 @p1 $0x190000, s0;
	s5 =	simm.s32 $0x1  }
0x106: {  	s6 =	sadd.s32 @p1 $0xF680, s7;
	s5 =	simm.s32 @!p0 $0x0;
	p0 =	seq.s32 s20, $0x0  }
0x107: {  	[hbm4b:s0+s2] =	stream.strided.scatter @p1 [tilespmem:s6], [sflag:s1], $0x2800, s3, s2, $0x200038;
	[tilespmem:$0x1E680] =	vst v63  }
0x108: {  	s0 =	simm.s32 $0x1;
	s2 =	simm.s32 $0x1;
	_ =	strace @p1 $0x9000004C  }
0x109: {  	s0 =	simm.s32 @!p1 $0x0;
	p1 =	sne.s32 s20, $0x0;
	s20 =	sadd.s32 $0x1, s20  }
0x10a: {  	s1 =	sand.u32 @!p0 $0x1, s16;
	s2 =	simm.s32 @!p1 $0x0;
	p1 =	sne.s32 s20, $0xA  }
.Ltmp1:
0x10b: {  	s1 =	sadd.s32 @!p0 $0x3, s1;
	_ =	strace @!p0 $0x8000004D;
	(pc) =	sbr.rel @p1 .LBB2_2-.Ltmp1, $4  }
0x10c: {  	_ =	swait.ge @!p0 [sflag:s1], $0xC800  }
0x10d: {  	s19 =	sadd.s32 s5, s19;
	[sflag:s1] =	ssyncset.done @!p0 $0x0  }
0x10e: {  	s17 =	sadd.s32 s0, s17;
	s18 =	sadd.s32 s0, s18;
	[sflag:s1] =	ssyncadd.s32 @!p0 $0xFFFF3800  }
0x10f: {  	s16 =	sadd.s32 s2, s16;
	s1 =	smov.u32 s21;
	_ =	strace @!p0 $0x9000004D  }
0x110: {  	_ =	strace $0x8000004E;
	s0 =	simm.s32 $0x4  }
0x111: {  	_ =	swait.ge [sflag:s0], $0xC800  }
0x112: {  	s1 =	rddreg [dreg:$0x8]  }
0x113: {  	s31 =	rddreg [dreg:$0x7];
	s1 =	sadd.s32 $0x1, s1  }
0x114: {  	p0 =	sne.s32 s1, s31  }
.Ltmp2:
0x115: {  	_ = 	snop;
	(pc) =	sbr.rel @p0 .LBB2_1-.Ltmp2, $4  }
0x116: {  	_ = 	snop  }
0x117: {  	[sflag:s0] =	ssyncset.done $0x0  }
0x118: {  	[sflag:s0] =	ssyncadd.s32 $0xFFFF3800  }
0x119: {  	_ =	strace $0x9000004E  }
0x11a: {  	_ =	sfence.sel $0x180000  }
0x11b: {  	[bflag:$0x0] =	sbarrier.arrive $0xFFFF  }
0x11c: {  	_ =	strace $0x90000047  }
0x11d: {  	s0 =	stileid.u32;
	[bflag:$0x2] =	sbarrier.arrive $0xFFFF  }
0x11e: {  	p0 =	sne.s32 s0, $0x0;
	s0 =	rddreg [dreg:$0x3]  }
0x11f: {  	s0 =	sadd.s32 @!p0 $0x100000, s0  }
0x120: {  	[sflag:s0] =	ssyncadd.tile.s32 @!p0 $0x1;
	_ =	shalt  }
.Lfunc_end2:
_tile_overlayer_lowered:
.L_overlay_start_2:
0x121: {  	(tag) =	ssettag $0x2  }
0x122: {  	s0 =	rddreg [dreg:$0x0];
	s2 =	stileid.u32  }
0x123: {  	s1 =	rddreg [dreg:$0x1];
	p0 =	sne.s32 s2, $0x0  }
0x124: {  	s3 =	rddreg [dreg:$0x2];
	[bflag:$0x3] =	sbarrier.arrive $0xFFFF;
	s2 =	simm.s32 @!p0 $0x1C01  }
0x125: {  	[timem:s3], [sflag:s2] =	dma.local @!p0 [hbm:s0], s1  }
0x126: {  	s0 =	simm.s32 @!p0 $0x1  }
0x127: {  	_ =	swait.ge @!p0 [sflag:s0], s1  }
0x128: {  	s1 =	ssub.s32 @!p0 $0x0, s1;
	[sflag:s0] =	ssyncset.done @!p0 $0x0  }
0x129: {  	[sflag:s0] =	ssyncadd.s32 @!p0 s1  }
0x12a: {  	[bflag:$0x3] =	sbarrier.arrive $0xFFFF  }
0x12b: {  	_ =	shalt  }

</sc_bundles>
